<compile_context>
chip_gen: v7x
topology: tpu7x:2x2x1
jax: 0.10.2.dev20260603
libtpu: 0.0.44.dev20260713+nightly
codegen_flags: <defaults>
</compile_context>

<pallas_src>
import functools

import jax
import jax.numpy as jnp
from jax import lax
from jax.experimental import pallas as pl
from jax.experimental.pallas import tpu as pltpu
from jax.experimental.pallas import tpu_sc as plsc

_CORPUS = 1_000_000
_H = 64
_CTX = 20
_NEG = 5
_T = _CTX + _NEG
_B = 16384

_NC = 2
_NS = 16
_NW = _NC * _NS
_NPW = _B // _NW

_CB = 16
_NCHUNK = _NPW // _CB
_G = 100
_GPC = _CB * _T // _G
_L = 16
_TP = 32


def _sc_body(idx0_hbm, idx1_hbm, w0_hbm, w1_hbm, out_hbm,
             idxe_v, idxt_v, emb_v, tgt_v, out_v, sem):
  wid = lax.axis_index("s") * _NC + lax.axis_index("c")

  def chunk_body(k, _):
    row = wid * _NCHUNK + k
    pltpu.sync_copy(idx0_hbm.at[row], idxe_v)
    for q in range(_GPC):
      pltpu.sync_copy(idx1_hbm.at[row * _GPC + q], idxt_v[q])
    cps = [pltpu.async_copy(w0_hbm.at[idxe_v], emb_v, sem)]
    for q in range(_GPC):
      cps.append(pltpu.async_copy(
          w1_hbm.at[idxt_v[q]], tgt_v.at[pl.ds(q * _G, _G)], sem))
    for cp in cps:
      cp.wait()

    lanes = lax.iota(jnp.int32, _L)

    def elem_body(i, _):
      e = [emb_v[i, pl.ds(j * _L, _L)] for j in range(_H // _L)]
      for g in range(_TP // _L):
        acc = jnp.zeros((_L,), jnp.float32)
        for cc in range(_L):
          c = g * _L + cc
          if c >= _T:
            break
          r = i * _T + c
          p = e[0] * tgt_v[r, pl.ds(0, _L)]
          for j in range(1, _H // _L):
            p = p + e[j] * tgt_v[r, pl.ds(j * _L, _L)]
          acc = jnp.where(lanes == cc, jnp.sum(p), acc)
        out_v[i, pl.ds(g * _L, _L)] = acc
      return _

    lax.fori_loop(0, _CB, elem_body, None)
    pltpu.sync_copy(out_v, out_hbm.at[pl.ds(wid * _NPW + k * _CB, _CB)])
    return _

  lax.fori_loop(0, _NCHUNK, chunk_body, None)


@jax.jit
def kernel(x, W0, W1):
  assert x.shape == (_B, 1 + _CTX)
  neg = jax.random.randint(jax.random.key(42), (_B, _NEG), 0, _CORPUS)
  idx0 = x[:, 0].reshape(_B // _CB, _CB)
  idx1 = jnp.concatenate(
      [x[:, 1:], neg.astype(jnp.int32)], axis=1).reshape(_B * _T // _G, _G)

  run = pl.kernel(
      _sc_body,
      out_type=jax.ShapeDtypeStruct((_B, _TP), jnp.float32),
      mesh=plsc.VectorSubcoreMesh(core_axis_name="c", subcore_axis_name="s",
                                  num_cores=_NC, num_subcores=_NS),
      compiler_params=pltpu.CompilerParams(needs_layout_passes=False,
                                           use_tc_tiling_on_sc=False),
      scratch_types=[
          pltpu.VMEM((_CB,), jnp.int32),
          [pltpu.VMEM((_G,), jnp.int32) for _ in range(_GPC)],
          pltpu.VMEM((_CB, _H), jnp.float32),
          pltpu.VMEM((_CB * _T, _H), jnp.float32),
          pltpu.VMEM((_CB, _TP), jnp.float32),
          pltpu.SemaphoreType.DMA,
      ],
  )
  return run(idx0, idx1, W0, W1)[:, :_T]

# --- scband reference (transcript-rebuilt; emitter-appended) ---
"""Pipeline reference for scband-skip-gram-net-45226005627616 (READ-ONLY COPY).

The authoritative reference and input builder live on the scoring server;
editing this copy changes nothing except your own understanding.
"""

import jax, jax.numpy as jnp
import numpy as np

CORPUS_SIZE = 1000000
HIDDEN_SIZE = 64
NEGATIVE_SIZE = 5
BATCH = 16384
CTX = 20


def setup_inputs(seed: int = 0) -> dict:
    key = jax.random.key(seed)
    k_x, k_w0, k_w1 = jax.random.split(key, 3)
    x = jax.random.randint(k_x, (BATCH, 1 + CTX), 0, CORPUS_SIZE, dtype=jnp.int64 if jax.config.jax_enable_x64 else jnp.int32).astype(jnp.int32)
    W0 = jax.random.normal(k_w0, (CORPUS_SIZE, HIDDEN_SIZE), dtype=jnp.float32)
    W1 = jax.random.normal(k_w1, (CORPUS_SIZE, HIDDEN_SIZE), dtype=jnp.float32)
    return {"x": x, "W0": W0, "W1": W1}


def reference(x, W0, W1):
    # y: context word ids, x0: center word id
    y = x[:, 1:]                      # [B, CTX]
    x0 = x[:, 0]                      # [B]
    emb = jnp.take(W0, x0, axis=0)    # [B, H]  (embedding gather)
    emb = emb[:, None, :]             # [B, 1, H]
    newY = jnp.take(W1, y, axis=0)    # [B, CTX, H]
    pos = jnp.sum(emb * newY, axis=2) # [B, CTX]
    # corpusSmall=False branch: uniform negative sampling
    neg_idx = jax.random.randint(jax.random.key(42), (y.shape[0], NEGATIVE_SIZE), 0, CORPUS_SIZE)
    negE = jnp.take(W1, neg_idx, axis=0)  # [B, NEG, H]
    neg = jnp.sum(emb * negE, axis=2)     # [B, NEG]
    retData = jnp.concatenate((pos, neg), axis=1)  # [B, CTX + NEG]
    return retData

if __name__ == "__main__":
    import jax
    _d = setup_inputs()
    print(jax.jit(kernel)(*tuple(_d.values())))

</pallas_src>

<mosaic_0001>
#map = affine_map<(d0, d1) -> (0, 0)>
module attributes {stable_mosaic.version = 14 : i64} {
  func.func @_sc_body(%arg0: i32, %arg1: i32, %arg2: memref<1024x16xi32, #tpu.memory_space<hbm>>, %arg3: memref<4096x100xi32, #tpu.memory_space<hbm>>, %arg4: memref<1000000x64xf32, #tpu.memory_space<hbm>>, %arg5: memref<1000000x64xf32, #tpu.memory_space<hbm>>, %arg6: memref<16384x32xf32, #tpu.memory_space<hbm>>, %arg7: memref<16xi32, #tpu.memory_space<vmem>>, %arg8: memref<100xi32, #tpu.memory_space<vmem>>, %arg9: memref<100xi32, #tpu.memory_space<vmem>>, %arg10: memref<100xi32, #tpu.memory_space<vmem>>, %arg11: memref<100xi32, #tpu.memory_space<vmem>>, %arg12: memref<16x64xf32, #tpu.memory_space<vmem>>, %arg13: memref<400x64xf32, #tpu.memory_space<vmem>>, %arg14: memref<16x32xf32, #tpu.memory_space<vmem>>, %arg15: memref<!tpu.dma_semaphore, #tpu.memory_space<semaphore_mem>>) attributes {dimension_semantics = [#tpu.dimension_semantics<core_parallel>, #tpu.dimension_semantics<subcore_parallel>], iteration_bounds = array<i64: 2, 16>, scalar_prefetch = 0 : i64, scratch_operands = 9 : i64, tpu.core_type = #tpu.core_type<sc_vector_subcore>, window_params = [{transform_indices = #map}, {transform_indices = #map}, {transform_indices = #map}, {transform_indices = #map}, {transform_indices = #map}]} {
    %mul3A = arith.constant 2 : i32
    %mul3A_0 = arith.muli %arg1, %mul3A : i32
    %add3A = arith.addi %mul3A_0, %arg0 : i32
    %scan3A = arith.constant 0 : i32
    %scan3A_1 = arith.constant 32 : i32
    %scan3A_2 = arith.addi %scan3A, %scan3A_1 : i32
    %scan3A_3 = arith.constant 1 : i32
    scf.for %scan3A_5 = %scan3A to %scan3A_2 step %scan3A_3  : i32 {
      %mul3A_6 = arith.constant 32 : i32
      %mul3A_7 = arith.muli %add3A, %mul3A_6 : i32
      %add3A_8 = arith.addi %mul3A_7, %scan3A_5 : i32
      "tpu.region"() ({
        %run_scoped3A = tpu.sem_alloc : memref<!tpu.dma_semaphore, #tpu.memory_space<semaphore_mem>>
        %dma_start3A_87 = arith.constant 0 : i32
        %dma_start3A_88 = tpu.memref_slice %arg2[%add3A_8, %dma_start3A_87] : memref<1024x16xi32, #tpu.memory_space<hbm>> -> memref<1x16xi32, #tpu.memory_space<hbm>>
        %dma_start3A_89 = tpu.memref_squeeze %dma_start3A_88 : memref<1x16xi32, #tpu.memory_space<hbm>> -> memref<16xi32, #tpu.memory_space<hbm>>
        %dma_start3A_90 = arith.constant 0 : i32
        %dma_start3A_91 = tpu.memref_slice %arg2[%add3A_8, %dma_start3A_90] : memref<1024x16xi32, #tpu.memory_space<hbm>> -> memref<1x16xi32, #tpu.memory_space<hbm>>
        %dma_start3A_92 = tpu.memref_squeeze %dma_start3A_91 : memref<1x16xi32, #tpu.memory_space<hbm>> -> memref<16xi32, #tpu.memory_space<hbm>>
        tpu.enqueue_dma source(%dma_start3A_92 : memref<16xi32, #tpu.memory_space<hbm>>) target(%arg7 : memref<16xi32, #tpu.memory_space<vmem>>) target_semaphore(%run_scoped3A : memref<!tpu.dma_semaphore, #tpu.memory_space<semaphore_mem>>)
        %dma_wait3A_93 = arith.constant 0 : i32
        %dma_wait3A_94 = tpu.memref_slice %arg2[%add3A_8, %dma_wait3A_93] : memref<1024x16xi32, #tpu.memory_space<hbm>> -> memref<1x16xi32, #tpu.memory_space<hbm>>
        %dma_wait3A_95 = tpu.memref_squeeze %dma_wait3A_94 : memref<1x16xi32, #tpu.memory_space<hbm>> -> memref<16xi32, #tpu.memory_space<hbm>>
        %dma_wait3A_96 = arith.constant 0 : i32
        %dma_wait3A_97 = tpu.memref_slice %arg2[%add3A_8, %dma_wait3A_96] : memref<1024x16xi32, #tpu.memory_space<hbm>> -> memref<1x16xi32, #tpu.memory_space<hbm>>
        %dma_wait3A_98 = tpu.memref_squeeze %dma_wait3A_97 : memref<1x16xi32, #tpu.memory_space<hbm>> -> memref<16xi32, #tpu.memory_space<hbm>>
        tpu.wait_dma2 semaphore(%run_scoped3A : memref<!tpu.dma_semaphore, #tpu.memory_space<semaphore_mem>>) src(%dma_wait3A_98 : memref<16xi32, #tpu.memory_space<hbm>>) dst(%arg7 : memref<16xi32, #tpu.memory_space<vmem>>)
        tpu.yield
      }) : () -> ()
      %mul3A_9 = arith.constant 4 : i32
      %mul3A_10 = arith.muli %add3A_8, %mul3A_9 : i32
      %add3A_11 = arith.constant 0 : i32
      %add3A_12 = arith.addi %mul3A_10, %add3A_11 : i32
      "tpu.region"() ({
        %run_scoped3A = tpu.sem_alloc : memref<!tpu.dma_semaphore, #tpu.memory_space<semaphore_mem>>
        %dma_start3A_87 = arith.constant 0 : i32
        %dma_start3A_88 = tpu.memref_slice %arg3[%add3A_12, %dma_start3A_87] : memref<4096x100xi32, #tpu.memory_space<hbm>> -> memref<1x100xi32, #tpu.memory_space<hbm>>
        %dma_start3A_89 = tpu.memref_squeeze %dma_start3A_88 : memref<1x100xi32, #tpu.memory_space<hbm>> -> memref<100xi32, #tpu.memory_space<hbm>>
        %dma_start3A_90 = arith.constant 0 : i32
        %dma_start3A_91 = tpu.memref_slice %arg3[%add3A_12, %dma_start3A_90] : memref<4096x100xi32, #tpu.memory_space<hbm>> -> memref<1x100xi32, #tpu.memory_space<hbm>>
        %dma_start3A_92 = tpu.memref_squeeze %dma_start3A_91 : memref<1x100xi32, #tpu.memory_space<hbm>> -> memref<100xi32, #tpu.memory_space<hbm>>
        tpu.enqueue_dma source(%dma_start3A_92 : memref<100xi32, #tpu.memory_space<hbm>>) target(%arg8 : memref<100xi32, #tpu.memory_space<vmem>>) target_semaphore(%run_scoped3A : memref<!tpu.dma_semaphore, #tpu.memory_space<semaphore_mem>>)
        %dma_wait3A_93 = arith.constant 0 : i32
        %dma_wait3A_94 = tpu.memref_slice %arg3[%add3A_12, %dma_wait3A_93] : memref<4096x100xi32, #tpu.memory_space<hbm>> -> memref<1x100xi32, #tpu.memory_space<hbm>>
        %dma_wait3A_95 = tpu.memref_squeeze %dma_wait3A_94 : memref<1x100xi32, #tpu.memory_space<hbm>> -> memref<100xi32, #tpu.memory_space<hbm>>
        %dma_wait3A_96 = arith.constant 0 : i32
        %dma_wait3A_97 = tpu.memref_slice %arg3[%add3A_12, %dma_wait3A_96] : memref<4096x100xi32, #tpu.memory_space<hbm>> -> memref<1x100xi32, #tpu.memory_space<hbm>>
        %dma_wait3A_98 = tpu.memref_squeeze %dma_wait3A_97 : memref<1x100xi32, #tpu.memory_space<hbm>> -> memref<100xi32, #tpu.memory_space<hbm>>
        tpu.wait_dma2 semaphore(%run_scoped3A : memref<!tpu.dma_semaphore, #tpu.memory_space<semaphore_mem>>) src(%dma_wait3A_98 : memref<100xi32, #tpu.memory_space<hbm>>) dst(%arg8 : memref<100xi32, #tpu.memory_space<vmem>>)
        tpu.yield
      }) : () -> ()
      %mul3A_13 = arith.constant 4 : i32
      %mul3A_14 = arith.muli %add3A_8, %mul3A_13 : i32
      %add3A_15 = arith.constant 1 : i32
      %add3A_16 = arith.addi %mul3A_14, %add3A_15 : i32
      "tpu.region"() ({
        %run_scoped3A = tpu.sem_alloc : memref<!tpu.dma_semaphore, #tpu.memory_space<semaphore_mem>>
        %dma_start3A_87 = arith.constant 0 : i32
        %dma_start3A_88 = tpu.memref_slice %arg3[%add3A_16, %dma_start3A_87] : memref<4096x100xi32, #tpu.memory_space<hbm>> -> memref<1x100xi32, #tpu.memory_space<hbm>>
        %dma_start3A_89 = tpu.memref_squeeze %dma_start3A_88 : memref<1x100xi32, #tpu.memory_space<hbm>> -> memref<100xi32, #tpu.memory_space<hbm>>
        %dma_start3A_90 = arith.constant 0 : i32
        %dma_start3A_91 = tpu.memref_slice %arg3[%add3A_16, %dma_start3A_90] : memref<4096x100xi32, #tpu.memory_space<hbm>> -> memref<1x100xi32, #tpu.memory_space<hbm>>
        %dma_start3A_92 = tpu.memref_squeeze %dma_start3A_91 : memref<1x100xi32, #tpu.memory_space<hbm>> -> memref<100xi32, #tpu.memory_space<hbm>>
        tpu.enqueue_dma source(%dma_start3A_92 : memref<100xi32, #tpu.memory_space<hbm>>) target(%arg9 : memref<100xi32, #tpu.memory_space<vmem>>) target_semaphore(%run_scoped3A : memref<!tpu.dma_semaphore, #tpu.memory_space<semaphore_mem>>)
        %dma_wait3A_93 = arith.constant 0 : i32
        %dma_wait3A_94 = tpu.memref_slice %arg3[%add3A_16, %dma_wait3A_93] : memref<4096x100xi32, #tpu.memory_space<hbm>> -> memref<1x100xi32, #tpu.memory_space<hbm>>
        %dma_wait3A_95 = tpu.memref_squeeze %dma_wait3A_94 : memref<1x100xi32, #tpu.memory_space<hbm>> -> memref<100xi32, #tpu.memory_space<hbm>>
        %dma_wait3A_96 = arith.constant 0 : i32
        %dma_wait3A_97 = tpu.memref_slice %arg3[%add3A_16, %dma_wait3A_96] : memref<4096x100xi32, #tpu.memory_space<hbm>> -> memref<1x100xi32, #tpu.memory_space<hbm>>
        %dma_wait3A_98 = tpu.memref_squeeze %dma_wait3A_97 : memref<1x100xi32, #tpu.memory_space<hbm>> -> memref<100xi32, #tpu.memory_space<hbm>>
        tpu.wait_dma2 semaphore(%run_scoped3A : memref<!tpu.dma_semaphore, #tpu.memory_space<semaphore_mem>>) src(%dma_wait3A_98 : memref<100xi32, #tpu.memory_space<hbm>>) dst(%arg9 : memref<100xi32, #tpu.memory_space<vmem>>)
        tpu.yield
      }) : () -> ()
      %mul3A_17 = arith.constant 4 : i32
      %mul3A_18 = arith.muli %add3A_8, %mul3A_17 : i32
      %add3A_19 = arith.constant 2 : i32
      %add3A_20 = arith.addi %mul3A_18, %add3A_19 : i32
      "tpu.region"() ({
        %run_scoped3A = tpu.sem_alloc : memref<!tpu.dma_semaphore, #tpu.memory_space<semaphore_mem>>
        %dma_start3A_87 = arith.constant 0 : i32
        %dma_start3A_88 = tpu.memref_slice %arg3[%add3A_20, %dma_start3A_87] : memref<4096x100xi32, #tpu.memory_space<hbm>> -> memref<1x100xi32, #tpu.memory_space<hbm>>
        %dma_start3A_89 = tpu.memref_squeeze %dma_start3A_88 : memref<1x100xi32, #tpu.memory_space<hbm>> -> memref<100xi32, #tpu.memory_space<hbm>>
        %dma_start3A_90 = arith.constant 0 : i32
        %dma_start3A_91 = tpu.memref_slice %arg3[%add3A_20, %dma_start3A_90] : memref<4096x100xi32, #tpu.memory_space<hbm>> -> memref<1x100xi32, #tpu.memory_space<hbm>>
        %dma_start3A_92 = tpu.memref_squeeze %dma_start3A_91 : memref<1x100xi32, #tpu.memory_space<hbm>> -> memref<100xi32, #tpu.memory_space<hbm>>
        tpu.enqueue_dma source(%dma_start3A_92 : memref<100xi32, #tpu.memory_space<hbm>>) target(%arg10 : memref<100xi32, #tpu.memory_space<vmem>>) target_semaphore(%run_scoped3A : memref<!tpu.dma_semaphore, #tpu.memory_space<semaphore_mem>>)
        %dma_wait3A_93 = arith.constant 0 : i32
        %dma_wait3A_94 = tpu.memref_slice %arg3[%add3A_20, %dma_wait3A_93] : memref<4096x100xi32, #tpu.memory_space<hbm>> -> memref<1x100xi32, #tpu.memory_space<hbm>>
        %dma_wait3A_95 = tpu.memref_squeeze %dma_wait3A_94 : memref<1x100xi32, #tpu.memory_space<hbm>> -> memref<100xi32, #tpu.memory_space<hbm>>
        %dma_wait3A_96 = arith.constant 0 : i32
        %dma_wait3A_97 = tpu.memref_slice %arg3[%add3A_20, %dma_wait3A_96] : memref<4096x100xi32, #tpu.memory_space<hbm>> -> memref<1x100xi32, #tpu.memory_space<hbm>>
        %dma_wait3A_98 = tpu.memref_squeeze %dma_wait3A_97 : memref<1x100xi32, #tpu.memory_space<hbm>> -> memref<100xi32, #tpu.memory_space<hbm>>
        tpu.wait_dma2 semaphore(%run_scoped3A : memref<!tpu.dma_semaphore, #tpu.memory_space<semaphore_mem>>) src(%dma_wait3A_98 : memref<100xi32, #tpu.memory_space<hbm>>) dst(%arg10 : memref<100xi32, #tpu.memory_space<vmem>>)
        tpu.yield
      }) : () -> ()
      %mul3A_21 = arith.constant 4 : i32
      %mul3A_22 = arith.muli %add3A_8, %mul3A_21 : i32
      %add3A_23 = arith.constant 3 : i32
      %add3A_24 = arith.addi %mul3A_22, %add3A_23 : i32
      "tpu.region"() ({
        %run_scoped3A = tpu.sem_alloc : memref<!tpu.dma_semaphore, #tpu.memory_space<semaphore_mem>>
        %dma_start3A_87 = arith.constant 0 : i32
        %dma_start3A_88 = tpu.memref_slice %arg3[%add3A_24, %dma_start3A_87] : memref<4096x100xi32, #tpu.memory_space<hbm>> -> memref<1x100xi32, #tpu.memory_space<hbm>>
        %dma_start3A_89 = tpu.memref_squeeze %dma_start3A_88 : memref<1x100xi32, #tpu.memory_space<hbm>> -> memref<100xi32, #tpu.memory_space<hbm>>
        %dma_start3A_90 = arith.constant 0 : i32
        %dma_start3A_91 = tpu.memref_slice %arg3[%add3A_24, %dma_start3A_90] : memref<4096x100xi32, #tpu.memory_space<hbm>> -> memref<1x100xi32, #tpu.memory_space<hbm>>
        %dma_start3A_92 = tpu.memref_squeeze %dma_start3A_91 : memref<1x100xi32, #tpu.memory_space<hbm>> -> memref<100xi32, #tpu.memory_space<hbm>>
        tpu.enqueue_dma source(%dma_start3A_92 : memref<100xi32, #tpu.memory_space<hbm>>) target(%arg11 : memref<100xi32, #tpu.memory_space<vmem>>) target_semaphore(%run_scoped3A : memref<!tpu.dma_semaphore, #tpu.memory_space<semaphore_mem>>)
        %dma_wait3A_93 = arith.constant 0 : i32
        %dma_wait3A_94 = tpu.memref_slice %arg3[%add3A_24, %dma_wait3A_93] : memref<4096x100xi32, #tpu.memory_space<hbm>> -> memref<1x100xi32, #tpu.memory_space<hbm>>
        %dma_wait3A_95 = tpu.memref_squeeze %dma_wait3A_94 : memref<1x100xi32, #tpu.memory_space<hbm>> -> memref<100xi32, #tpu.memory_space<hbm>>
        %dma_wait3A_96 = arith.constant 0 : i32
        %dma_wait3A_97 = tpu.memref_slice %arg3[%add3A_24, %dma_wait3A_96] : memref<4096x100xi32, #tpu.memory_space<hbm>> -> memref<1x100xi32, #tpu.memory_space<hbm>>
        %dma_wait3A_98 = tpu.memref_squeeze %dma_wait3A_97 : memref<1x100xi32, #tpu.memory_space<hbm>> -> memref<100xi32, #tpu.memory_space<hbm>>
        tpu.wait_dma2 semaphore(%run_scoped3A : memref<!tpu.dma_semaphore, #tpu.memory_space<semaphore_mem>>) src(%dma_wait3A_98 : memref<100xi32, #tpu.memory_space<hbm>>) dst(%arg11 : memref<100xi32, #tpu.memory_space<vmem>>)
        tpu.yield
      }) : () -> ()
      %dma_start3A = arith.constant 0 : i32
      %dma_start3A_25 = arith.constant 0 : i32
      %dma_start3A_26 = tpu.memref_slice %arg4[%dma_start3A, %dma_start3A_25] : memref<1000000x64xf32, #tpu.memory_space<hbm>> -> memref<1000000x64xf32, #tpu.memory_space<hbm>>
      tpu.enqueue_indirect_dma source(%dma_start3A_26 : memref<1000000x64xf32, #tpu.memory_space<hbm>>) target(%arg12 : memref<16x64xf32, #tpu.memory_space<vmem>>) offsets(%arg7 : memref<16xi32, #tpu.memory_space<vmem>>) semaphore(%arg15 : memref<!tpu.dma_semaphore, #tpu.memory_space<semaphore_mem>>)
      %dma_start3A_27 = arith.constant 0 : i32
      %dma_start3A_28 = arith.constant 0 : i32
      %dma_start3A_29 = tpu.memref_slice %arg13[%dma_start3A_27, %dma_start3A_28] : memref<400x64xf32, #tpu.memory_space<vmem>> -> memref<100x64xf32, #tpu.memory_space<vmem>>
      %dma_start3A_30 = arith.constant 0 : i32
      %dma_start3A_31 = arith.constant 0 : i32
      %dma_start3A_32 = tpu.memref_slice %arg5[%dma_start3A_30, %dma_start3A_31] : memref<1000000x64xf32, #tpu.memory_space<hbm>> -> memref<1000000x64xf32, #tpu.memory_space<hbm>>
      tpu.enqueue_indirect_dma source(%dma_start3A_32 : memref<1000000x64xf32, #tpu.memory_space<hbm>>) target(%dma_start3A_29 : memref<100x64xf32, #tpu.memory_space<vmem>>) offsets(%arg8 : memref<100xi32, #tpu.memory_space<vmem>>) semaphore(%arg15 : memref<!tpu.dma_semaphore, #tpu.memory_space<semaphore_mem>>)
      %dma_start3A_33 = arith.constant 100 : i32
      %dma_start3A_34 = arith.constant 0 : i32
      %dma_start3A_35 = tpu.memref_slice %arg13[%dma_start3A_33, %dma_start3A_34] : memref<400x64xf32, #tpu.memory_space<vmem>> -> memref<100x64xf32, #tpu.memory_space<vmem>>
      %dma_start3A_36 = arith.constant 0 : i32
      %dma_start3A_37 = arith.constant 0 : i32
      %dma_start3A_38 = tpu.memref_slice %arg5[%dma_start3A_36, %dma_start3A_37] : memref<1000000x64xf32, #tpu.memory_space<hbm>> -> memref<1000000x64xf32, #tpu.memory_space<hbm>>
      tpu.enqueue_indirect_dma source(%dma_start3A_38 : memref<1000000x64xf32, #tpu.memory_space<hbm>>) target(%dma_start3A_35 : memref<100x64xf32, #tpu.memory_space<vmem>>) offsets(%arg9 : memref<100xi32, #tpu.memory_space<vmem>>) semaphore(%arg15 : memref<!tpu.dma_semaphore, #tpu.memory_space<semaphore_mem>>)
      %dma_start3A_39 = arith.constant 200 : i32
      %dma_start3A_40 = arith.constant 0 : i32
      %dma_start3A_41 = tpu.memref_slice %arg13[%dma_start3A_39, %dma_start3A_40] : memref<400x64xf32, #tpu.memory_space<vmem>> -> memref<100x64xf32, #tpu.memory_space<vmem>>
      %dma_start3A_42 = arith.constant 0 : i32
      %dma_start3A_43 = arith.constant 0 : i32
      %dma_start3A_44 = tpu.memref_slice %arg5[%dma_start3A_42, %dma_start3A_43] : memref<1000000x64xf32, #tpu.memory_space<hbm>> -> memref<1000000x64xf32, #tpu.memory_space<hbm>>
      tpu.enqueue_indirect_dma source(%dma_start3A_44 : memref<1000000x64xf32, #tpu.memory_space<hbm>>) target(%dma_start3A_41 : memref<100x64xf32, #tpu.memory_space<vmem>>) offsets(%arg10 : memref<100xi32, #tpu.memory_space<vmem>>) semaphore(%arg15 : memref<!tpu.dma_semaphore, #tpu.memory_space<semaphore_mem>>)
      %dma_start3A_45 = arith.constant 300 : i32
      %dma_start3A_46 = arith.constant 0 : i32
      %dma_start3A_47 = tpu.memref_slice %arg13[%dma_start3A_45, %dma_start3A_46] : memref<400x64xf32, #tpu.memory_space<vmem>> -> memref<100x64xf32, #tpu.memory_space<vmem>>
      %dma_start3A_48 = arith.constant 0 : i32
      %dma_start3A_49 = arith.constant 0 : i32
      %dma_start3A_50 = tpu.memref_slice %arg5[%dma_start3A_48, %dma_start3A_49] : memref<1000000x64xf32, #tpu.memory_space<hbm>> -> memref<1000000x64xf32, #tpu.memory_space<hbm>>
      tpu.enqueue_indirect_dma source(%dma_start3A_50 : memref<1000000x64xf32, #tpu.memory_space<hbm>>) target(%dma_start3A_47 : memref<100x64xf32, #tpu.memory_space<vmem>>) offsets(%arg11 : memref<100xi32, #tpu.memory_space<vmem>>) semaphore(%arg15 : memref<!tpu.dma_semaphore, #tpu.memory_space<semaphore_mem>>)
      %dma_wait3A = arith.constant 0 : i32
      %dma_wait3A_51 = arith.constant 0 : i32
      %dma_wait3A_52 = tpu.memref_slice %arg4[%dma_wait3A, %dma_wait3A_51] : memref<1000000x64xf32, #tpu.memory_space<hbm>> -> memref<1000000x64xf32, #tpu.memory_space<hbm>>
      tpu.wait_indirect_dma semaphore(%arg15 : memref<!tpu.dma_semaphore, #tpu.memory_space<semaphore_mem>>) src(%dma_wait3A_52 : memref<1000000x64xf32, #tpu.memory_space<hbm>>) dst(%arg12 : memref<16x64xf32, #tpu.memory_space<vmem>>)
      %dma_wait3A_53 = arith.constant 0 : i32
      %dma_wait3A_54 = arith.constant 0 : i32
      %dma_wait3A_55 = tpu.memref_slice %arg13[%dma_wait3A_53, %dma_wait3A_54] : memref<400x64xf32, #tpu.memory_space<vmem>> -> memref<100x64xf32, #tpu.memory_space<vmem>>
      %dma_wait3A_56 = arith.constant 0 : i32
      %dma_wait3A_57 = arith.constant 0 : i32
      %dma_wait3A_58 = tpu.memref_slice %arg5[%dma_wait3A_56, %dma_wait3A_57] : memref<1000000x64xf32, #tpu.memory_space<hbm>> -> memref<1000000x64xf32, #tpu.memory_space<hbm>>
      tpu.wait_indirect_dma semaphore(%arg15 : memref<!tpu.dma_semaphore, #tpu.memory_space<semaphore_mem>>) src(%dma_wait3A_58 : memref<1000000x64xf32, #tpu.memory_space<hbm>>) dst(%dma_wait3A_55 : memref<100x64xf32, #tpu.memory_space<vmem>>)
      %dma_wait3A_59 = arith.constant 100 : i32
      %dma_wait3A_60 = arith.constant 0 : i32
      %dma_wait3A_61 = tpu.memref_slice %arg13[%dma_wait3A_59, %dma_wait3A_60] : memref<400x64xf32, #tpu.memory_space<vmem>> -> memref<100x64xf32, #tpu.memory_space<vmem>>
      %dma_wait3A_62 = arith.constant 0 : i32
      %dma_wait3A_63 = arith.constant 0 : i32
      %dma_wait3A_64 = tpu.memref_slice %arg5[%dma_wait3A_62, %dma_wait3A_63] : memref<1000000x64xf32, #tpu.memory_space<hbm>> -> memref<1000000x64xf32, #tpu.memory_space<hbm>>
      tpu.wait_indirect_dma semaphore(%arg15 : memref<!tpu.dma_semaphore, #tpu.memory_space<semaphore_mem>>) src(%dma_wait3A_64 : memref<1000000x64xf32, #tpu.memory_space<hbm>>) dst(%dma_wait3A_61 : memref<100x64xf32, #tpu.memory_space<vmem>>)
      %dma_wait3A_65 = arith.constant 200 : i32
      %dma_wait3A_66 = arith.constant 0 : i32
      %dma_wait3A_67 = tpu.memref_slice %arg13[%dma_wait3A_65, %dma_wait3A_66] : memref<400x64xf32, #tpu.memory_space<vmem>> -> memref<100x64xf32, #tpu.memory_space<vmem>>
      %dma_wait3A_68 = arith.constant 0 : i32
      %dma_wait3A_69 = arith.constant 0 : i32
      %dma_wait3A_70 = tpu.memref_slice %arg5[%dma_wait3A_68, %dma_wait3A_69] : memref<1000000x64xf32, #tpu.memory_space<hbm>> -> memref<1000000x64xf32, #tpu.memory_space<hbm>>
      tpu.wait_indirect_dma semaphore(%arg15 : memref<!tpu.dma_semaphore, #tpu.memory_space<semaphore_mem>>) src(%dma_wait3A_70 : memref<1000000x64xf32, #tpu.memory_space<hbm>>) dst(%dma_wait3A_67 : memref<100x64xf32, #tpu.memory_space<vmem>>)
      %dma_wait3A_71 = arith.constant 300 : i32
      %dma_wait3A_72 = arith.constant 0 : i32
      %dma_wait3A_73 = tpu.memref_slice %arg13[%dma_wait3A_71, %dma_wait3A_72] : memref<400x64xf32, #tpu.memory_space<vmem>> -> memref<100x64xf32, #tpu.memory_space<vmem>>
      %dma_wait3A_74 = arith.constant 0 : i32
      %dma_wait3A_75 = arith.constant 0 : i32
      %dma_wait3A_76 = tpu.memref_slice %arg5[%dma_wait3A_74, %dma_wait3A_75] : memref<1000000x64xf32, #tpu.memory_space<hbm>> -> memref<1000000x64xf32, #tpu.memory_space<hbm>>
      tpu.wait_indirect_dma semaphore(%arg15 : memref<!tpu.dma_semaphore, #tpu.memory_space<semaphore_mem>>) src(%dma_wait3A_76 : memref<1000000x64xf32, #tpu.memory_space<hbm>>) dst(%dma_wait3A_73 : memref<100x64xf32, #tpu.memory_space<vmem>>)
      %iota3A = tpu.iota {dimensions = array<i32: 0>} : vector<16xi32>
      %scan3A_77 = arith.constant 0 : i32
      %scan3A_78 = arith.constant 16 : i32
      %scan3A_79 = arith.addi %scan3A_77, %scan3A_78 : i32
      %scan3A_80 = arith.constant 1 : i32
      scf.for %scan3A_87 = %scan3A_77 to %scan3A_79 step %scan3A_80  : i32 {
        %get3A = arith.index_cast %scan3A_87 : i32 to index
        %get3A_88 = arith.constant 0 : index
        %get3A_89 = tpu.vector_load %arg12[%get3A, %get3A_88] {strides = array<i32>} : memref<16x64xf32, #tpu.memory_space<vmem>>, vector<16xf32>,
        %get3A_90 = arith.index_cast %scan3A_87 : i32 to index
        %get3A_91 = arith.constant 16 : index
        %get3A_92 = tpu.vector_load %arg12[%get3A_90, %get3A_91] {strides = array<i32>} : memref<16x64xf32, #tpu.memory_space<vmem>>, vector<16xf32>,
        %get3A_93 = arith.index_cast %scan3A_87 : i32 to index
        %get3A_94 = arith.constant 32 : index
        %get3A_95 = tpu.vector_load %arg12[%get3A_93, %get3A_94] {strides = array<i32>} : memref<16x64xf32, #tpu.memory_space<vmem>>, vector<16xf32>,
        %get3A_96 = arith.index_cast %scan3A_87 : i32 to index
        %get3A_97 = arith.constant 48 : index
        %get3A_98 = tpu.vector_load %arg12[%get3A_96, %get3A_97] {strides = array<i32>} : memref<16x64xf32, #tpu.memory_space<vmem>>, vector<16xf32>,
        %broadcast_in_dim3A = arith.constant 0.000000e+00 : f32
        %broadcast_in_dim3A_99 = vector.broadcast %broadcast_in_dim3A : f32 to vector<16xf32>
        %mul3A_100 = arith.constant 25 : i32
        %mul3A_101 = arith.muli %scan3A_87, %mul3A_100 : i32
        %add3A_102 = arith.constant 0 : i32
        %add3A_103 = arith.addi %mul3A_101, %add3A_102 : i32
        %get3A_104 = arith.index_cast %add3A_103 : i32 to index
        %get3A_105 = arith.constant 0 : index
        %get3A_106 = tpu.vector_load %arg13[%get3A_104, %get3A_105] {strides = array<i32>} : memref<400x64xf32, #tpu.memory_space<vmem>>, vector<16xf32>,
        %mul3A_107 = arith.mulf %get3A_89, %get3A_106 : vector<16xf32>
        %get3A_108 = arith.index_cast %add3A_103 : i32 to index
        %get3A_109 = arith.constant 16 : index
        %get3A_110 = tpu.vector_load %arg13[%get3A_108, %get3A_109] {strides = array<i32>} : memref<400x64xf32, #tpu.memory_space<vmem>>, vector<16xf32>,
        %mul3A_111 = arith.mulf %get3A_92, %get3A_110 : vector<16xf32>
        %add3A_112 = arith.addf %mul3A_107, %mul3A_111 : vector<16xf32>
        %get3A_113 = arith.index_cast %add3A_103 : i32 to index
        %get3A_114 = arith.constant 32 : index
        %get3A_115 = tpu.vector_load %arg13[%get3A_113, %get3A_114] {strides = array<i32>} : memref<400x64xf32, #tpu.memory_space<vmem>>, vector<16xf32>,
        %mul3A_116 = arith.mulf %get3A_95, %get3A_115 : vector<16xf32>
        %add3A_117 = arith.addf %add3A_112, %mul3A_116 : vector<16xf32>
        %get3A_118 = arith.index_cast %add3A_103 : i32 to index
        %get3A_119 = arith.constant 48 : index
        %get3A_120 = tpu.vector_load %arg13[%get3A_118, %get3A_119] {strides = array<i32>} : memref<400x64xf32, #tpu.memory_space<vmem>>, vector<16xf32>,
        %mul3A_121 = arith.mulf %get3A_98, %get3A_120 : vector<16xf32>
        %add3A_122 = arith.addf %add3A_117, %mul3A_121 : vector<16xf32>
        %eq3A = arith.constant 0 : i32
        %eq3A_123 = vector.broadcast %eq3A : i32 to vector<16xi32>
        %eq3A_124 = arith.cmpi eq, %iota3A, %eq3A_123 : vector<16xi32>
        %reduce_sum3A = arith.constant true
        %reduce_sum3A_125 = vector.broadcast %reduce_sum3A : i1 to vector<16xi1>
        %reduce_sum3A_126 = tpu.scan <sum>, %add3A_122 masked %reduce_sum3A_125 : vector<16xf32>, vector<16xi1> -> vector<16xf32>
        %reduce_sum3A_127 = vector.extract %reduce_sum3A_126[15] : f32 from vector<16xf32>
        %broadcast_in_dim3A_128 = vector.broadcast %reduce_sum3A_127 : f32 to vector<16xf32>
        %select_n3A = arith.select %eq3A_124, %broadcast_in_dim3A_128, %broadcast_in_dim3A_99 : vector<16xi1>, vector<16xf32>
        %mul3A_129 = arith.constant 25 : i32
        %mul3A_130 = arith.muli %scan3A_87, %mul3A_129 : i32
        %add3A_131 = arith.constant 1 : i32
        %add3A_132 = arith.addi %mul3A_130, %add3A_131 : i32
        %get3A_133 = arith.index_cast %add3A_132 : i32 to index
        %get3A_134 = arith.constant 0 : index
        %get3A_135 = tpu.vector_load %arg13[%get3A_133, %get3A_134] {strides = array<i32>} : memref<400x64xf32, #tpu.memory_space<vmem>>, vector<16xf32>,
        %mul3A_136 = arith.mulf %get3A_89, %get3A_135 : vector<16xf32>
        %get3A_137 = arith.index_cast %add3A_132 : i32 to index
        %get3A_138 = arith.constant 16 : index
        %get3A_139 = tpu.vector_load %arg13[%get3A_137, %get3A_138] {strides = array<i32>} : memref<400x64xf32, #tpu.memory_space<vmem>>, vector<16xf32>,
        %mul3A_140 = arith.mulf %get3A_92, %get3A_139 : vector<16xf32>
        %add3A_141 = arith.addf %mul3A_136, %mul3A_140 : vector<16xf32>
        %get3A_142 = arith.index_cast %add3A_132 : i32 to index
        %get3A_143 = arith.constant 32 : index
        %get3A_144 = tpu.vector_load %arg13[%get3A_142, %get3A_143] {strides = array<i32>} : memref<400x64xf32, #tpu.memory_space<vmem>>, vector<16xf32>,
        %mul3A_145 = arith.mulf %get3A_95, %get3A_144 : vector<16xf32>
        %add3A_146 = arith.addf %add3A_141, %mul3A_145 : vector<16xf32>
        %get3A_147 = arith.index_cast %add3A_132 : i32 to index
        %get3A_148 = arith.constant 48 : index
        %get3A_149 = tpu.vector_load %arg13[%get3A_147, %get3A_148] {strides = array<i32>} : memref<400x64xf32, #tpu.memory_space<vmem>>, vector<16xf32>,
        %mul3A_150 = arith.mulf %get3A_98, %get3A_149 : vector<16xf32>
        %add3A_151 = arith.addf %add3A_146, %mul3A_150 : vector<16xf32>
        %eq3A_152 = arith.constant 1 : i32
        %eq3A_153 = vector.broadcast %eq3A_152 : i32 to vector<16xi32>
        %eq3A_154 = arith.cmpi eq, %iota3A, %eq3A_153 : vector<16xi32>
        %reduce_sum3A_155 = arith.constant true
        %reduce_sum3A_156 = vector.broadcast %reduce_sum3A_155 : i1 to vector<16xi1>
        %reduce_sum3A_157 = tpu.scan <sum>, %add3A_151 masked %reduce_sum3A_156 : vector<16xf32>, vector<16xi1> -> vector<16xf32>
        %reduce_sum3A_158 = vector.extract %reduce_sum3A_157[15] : f32 from vector<16xf32>
        %broadcast_in_dim3A_159 = vector.broadcast %reduce_sum3A_158 : f32 to vector<16xf32>
        %select_n3A_160 = arith.select %eq3A_154, %broadcast_in_dim3A_159, %select_n3A : vector<16xi1>, vector<16xf32>
        %mul3A_161 = arith.constant 25 : i32
        %mul3A_162 = arith.muli %scan3A_87, %mul3A_161 : i32
        %add3A_163 = arith.constant 2 : i32
        %add3A_164 = arith.addi %mul3A_162, %add3A_163 : i32
        %get3A_165 = arith.index_cast %add3A_164 : i32 to index
        %get3A_166 = arith.constant 0 : index
        %get3A_167 = tpu.vector_load %arg13[%get3A_165, %get3A_166] {strides = array<i32>} : memref<400x64xf32, #tpu.memory_space<vmem>>, vector<16xf32>,
        %mul3A_168 = arith.mulf %get3A_89, %get3A_167 : vector<16xf32>
        %get3A_169 = arith.index_cast %add3A_164 : i32 to index
        %get3A_170 = arith.constant 16 : index
        %get3A_171 = tpu.vector_load %arg13[%get3A_169, %get3A_170] {strides = array<i32>} : memref<400x64xf32, #tpu.memory_space<vmem>>, vector<16xf32>,
        %mul3A_172 = arith.mulf %get3A_92, %get3A_171 : vector<16xf32>
        %add3A_173 = arith.addf %mul3A_168, %mul3A_172 : vector<16xf32>
        %get3A_174 = arith.index_cast %add3A_164 : i32 to index
        %get3A_175 = arith.constant 32 : index
        %get3A_176 = tpu.vector_load %arg13[%get3A_174, %get3A_175] {strides = array<i32>} : memref<400x64xf32, #tpu.memory_space<vmem>>, vector<16xf32>,
        %mul3A_177 = arith.mulf %get3A_95, %get3A_176 : vector<16xf32>
        %add3A_178 = arith.addf %add3A_173, %mul3A_177 : vector<16xf32>
        %get3A_179 = arith.index_cast %add3A_164 : i32 to index
        %get3A_180 = arith.constant 48 : index
        %get3A_181 = tpu.vector_load %arg13[%get3A_179, %get3A_180] {strides = array<i32>} : memref<400x64xf32, #tpu.memory_space<vmem>>, vector<16xf32>,
        %mul3A_182 = arith.mulf %get3A_98, %get3A_181 : vector<16xf32>
        %add3A_183 = arith.addf %add3A_178, %mul3A_182 : vector<16xf32>
        %eq3A_184 = arith.constant 2 : i32
        %eq3A_185 = vector.broadcast %eq3A_184 : i32 to vector<16xi32>
        %eq3A_186 = arith.cmpi eq, %iota3A, %eq3A_185 : vector<16xi32>
        %reduce_sum3A_187 = arith.constant true
        %reduce_sum3A_188 = vector.broadcast %reduce_sum3A_187 : i1 to vector<16xi1>
        %reduce_sum3A_189 = tpu.scan <sum>, %add3A_183 masked %reduce_sum3A_188 : vector<16xf32>, vector<16xi1> -> vector<16xf32>
        %reduce_sum3A_190 = vector.extract %reduce_sum3A_189[15] : f32 from vector<16xf32>
        %broadcast_in_dim3A_191 = vector.broadcast %reduce_sum3A_190 : f32 to vector<16xf32>
        %select_n3A_192 = arith.select %eq3A_186, %broadcast_in_dim3A_191, %select_n3A_160 : vector<16xi1>, vector<16xf32>
        %mul3A_193 = arith.constant 25 : i32
        %mul3A_194 = arith.muli %scan3A_87, %mul3A_193 : i32
        %add3A_195 = arith.constant 3 : i32
        %add3A_196 = arith.addi %mul3A_194, %add3A_195 : i32
        %get3A_197 = arith.index_cast %add3A_196 : i32 to index
        %get3A_198 = arith.constant 0 : index
        %get3A_199 = tpu.vector_load %arg13[%get3A_197, %get3A_198] {strides = array<i32>} : memref<400x64xf32, #tpu.memory_space<vmem>>, vector<16xf32>,
        %mul3A_200 = arith.mulf %get3A_89, %get3A_199 : vector<16xf32>
        %get3A_201 = arith.index_cast %add3A_196 : i32 to index
        %get3A_202 = arith.constant 16 : index
        %get3A_203 = tpu.vector_load %arg13[%get3A_201, %get3A_202] {strides = array<i32>} : memref<400x64xf32, #tpu.memory_space<vmem>>, vector<16xf32>,
        %mul3A_204 = arith.mulf %get3A_92, %get3A_203 : vector<16xf32>
        %add3A_205 = arith.addf %mul3A_200, %mul3A_204 : vector<16xf32>
        %get3A_206 = arith.index_cast %add3A_196 : i32 to index
        %get3A_207 = arith.constant 32 : index
        %get3A_208 = tpu.vector_load %arg13[%get3A_206, %get3A_207] {strides = array<i32>} : memref<400x64xf32, #tpu.memory_space<vmem>>, vector<16xf32>,
        %mul3A_209 = arith.mulf %get3A_95, %get3A_208 : vector<16xf32>
        %add3A_210 = arith.addf %add3A_205, %mul3A_209 : vector<16xf32>
        %get3A_211 = arith.index_cast %add3A_196 : i32 to index
        %get3A_212 = arith.constant 48 : index
        %get3A_213 = tpu.vector_load %arg13[%get3A_211, %get3A_212] {strides = array<i32>} : memref<400x64xf32, #tpu.memory_space<vmem>>, vector<16xf32>,
        %mul3A_214 = arith.mulf %get3A_98, %get3A_213 : vector<16xf32>
        %add3A_215 = arith.addf %add3A_210, %mul3A_214 : vector<16xf32>
        %eq3A_216 = arith.constant 3 : i32
        %eq3A_217 = vector.broadcast %eq3A_216 : i32 to vector<16xi32>
        %eq3A_218 = arith.cmpi eq, %iota3A, %eq3A_217 : vector<16xi32>
        %reduce_sum3A_219 = arith.constant true
        %reduce_sum3A_220 = vector.broadcast %reduce_sum3A_219 : i1 to vector<16xi1>
        %reduce_sum3A_221 = tpu.scan <sum>, %add3A_215 masked %reduce_sum3A_220 : vector<16xf32>, vector<16xi1> -> vector<16xf32>
        %reduce_sum3A_222 = vector.extract %reduce_sum3A_221[15] : f32 from vector<16xf32>
        %broadcast_in_dim3A_223 = vector.broadcast %reduce_sum3A_222 : f32 to vector<16xf32>
        %select_n3A_224 = arith.select %eq3A_218, %broadcast_in_dim3A_223, %select_n3A_192 : vector<16xi1>, vector<16xf32>
        %mul3A_225 = arith.constant 25 : i32
        %mul3A_226 = arith.muli %scan3A_87, %mul3A_225 : i32
        %add3A_227 = arith.constant 4 : i32
        %add3A_228 = arith.addi %mul3A_226, %add3A_227 : i32
        %get3A_229 = arith.index_cast %add3A_228 : i32 to index
        %get3A_230 = arith.constant 0 : index
        %get3A_231 = tpu.vector_load %arg13[%get3A_229, %get3A_230] {strides = array<i32>} : memref<400x64xf32, #tpu.memory_space<vmem>>, vector<16xf32>,
        %mul3A_232 = arith.mulf %get3A_89, %get3A_231 : vector<16xf32>
        %get3A_233 = arith.index_cast %add3A_228 : i32 to index
        %get3A_234 = arith.constant 16 : index
        %get3A_235 = tpu.vector_load %arg13[%get3A_233, %get3A_234] {strides = array<i32>} : memref<400x64xf32, #tpu.memory_space<vmem>>, vector<16xf32>,
        %mul3A_236 = arith.mulf %get3A_92, %get3A_235 : vector<16xf32>
        %add3A_237 = arith.addf %mul3A_232, %mul3A_236 : vector<16xf32>
        %get3A_238 = arith.index_cast %add3A_228 : i32 to index
        %get3A_239 = arith.constant 32 : index
        %get3A_240 = tpu.vector_load %arg13[%get3A_238, %get3A_239] {strides = array<i32>} : memref<400x64xf32, #tpu.memory_space<vmem>>, vector<16xf32>,
        %mul3A_241 = arith.mulf %get3A_95, %get3A_240 : vector<16xf32>
        %add3A_242 = arith.addf %add3A_237, %mul3A_241 : vector<16xf32>
        %get3A_243 = arith.index_cast %add3A_228 : i32 to index
        %get3A_244 = arith.constant 48 : index
        %get3A_245 = tpu.vector_load %arg13[%get3A_243, %get3A_244] {strides = array<i32>} : memref<400x64xf32, #tpu.memory_space<vmem>>, vector<16xf32>,
        %mul3A_246 = arith.mulf %get3A_98, %get3A_245 : vector<16xf32>
        %add3A_247 = arith.addf %add3A_242, %mul3A_246 : vector<16xf32>
        %eq3A_248 = arith.constant 4 : i32
        %eq3A_249 = vector.broadcast %eq3A_248 : i32 to vector<16xi32>
        %eq3A_250 = arith.cmpi eq, %iota3A, %eq3A_249 : vector<16xi32>
        %reduce_sum3A_251 = arith.constant true
        %reduce_sum3A_252 = vector.broadcast %reduce_sum3A_251 : i1 to vector<16xi1>
        %reduce_sum3A_253 = tpu.scan <sum>, %add3A_247 masked %reduce_sum3A_252 : vector<16xf32>, vector<16xi1> -> vector<16xf32>
        %reduce_sum3A_254 = vector.extract %reduce_sum3A_253[15] : f32 from vector<16xf32>
        %broadcast_in_dim3A_255 = vector.broadcast %reduce_sum3A_254 : f32 to vector<16xf32>
        %select_n3A_256 = arith.select %eq3A_250, %broadcast_in_dim3A_255, %select_n3A_224 : vector<16xi1>, vector<16xf32>
        %mul3A_257 = arith.constant 25 : i32
        %mul3A_258 = arith.muli %scan3A_87, %mul3A_257 : i32
        %add3A_259 = arith.constant 5 : i32
        %add3A_260 = arith.addi %mul3A_258, %add3A_259 : i32
        %get3A_261 = arith.index_cast %add3A_260 : i32 to index
        %get3A_262 = arith.constant 0 : index
        %get3A_263 = tpu.vector_load %arg13[%get3A_261, %get3A_262] {strides = array<i32>} : memref<400x64xf32, #tpu.memory_space<vmem>>, vector<16xf32>,
        %mul3A_264 = arith.mulf %get3A_89, %get3A_263 : vector<16xf32>
        %get3A_265 = arith.index_cast %add3A_260 : i32 to index
        %get3A_266 = arith.constant 16 : index
        %get3A_267 = tpu.vector_load %arg13[%get3A_265, %get3A_266] {strides = array<i32>} : memref<400x64xf32, #tpu.memory_space<vmem>>, vector<16xf32>,
        %mul3A_268 = arith.mulf %get3A_92, %get3A_267 : vector<16xf32>
        %add3A_269 = arith.addf %mul3A_264, %mul3A_268 : vector<16xf32>
        %get3A_270 = arith.index_cast %add3A_260 : i32 to index
        %get3A_271 = arith.constant 32 : index
        %get3A_272 = tpu.vector_load %arg13[%get3A_270, %get3A_271] {strides = array<i32>} : memref<400x64xf32, #tpu.memory_space<vmem>>, vector<16xf32>,
        %mul3A_273 = arith.mulf %get3A_95, %get3A_272 : vector<16xf32>
        %add3A_274 = arith.addf %add3A_269, %mul3A_273 : vector<16xf32>
        %get3A_275 = arith.index_cast %add3A_260 : i32 to index
        %get3A_276 = arith.constant 48 : index
        %get3A_277 = tpu.vector_load %arg13[%get3A_275, %get3A_276] {strides = array<i32>} : memref<400x64xf32, #tpu.memory_space<vmem>>, vector<16xf32>,
        %mul3A_278 = arith.mulf %get3A_98, %get3A_277 : vector<16xf32>
        %add3A_279 = arith.addf %add3A_274, %mul3A_278 : vector<16xf32>
        %eq3A_280 = arith.constant 5 : i32
        %eq3A_281 = vector.broadcast %eq3A_280 : i32 to vector<16xi32>
        %eq3A_282 = arith.cmpi eq, %iota3A, %eq3A_281 : vector<16xi32>
        %reduce_sum3A_283 = arith.constant true
        %reduce_sum3A_284 = vector.broadcast %reduce_sum3A_283 : i1 to vector<16xi1>
        %reduce_sum3A_285 = tpu.scan <sum>, %add3A_279 masked %reduce_sum3A_284 : vector<16xf32>, vector<16xi1> -> vector<16xf32>
        %reduce_sum3A_286 = vector.extract %reduce_sum3A_285[15] : f32 from vector<16xf32>
        %broadcast_in_dim3A_287 = vector.broadcast %reduce_sum3A_286 : f32 to vector<16xf32>
        %select_n3A_288 = arith.select %eq3A_282, %broadcast_in_dim3A_287, %select_n3A_256 : vector<16xi1>, vector<16xf32>
        %mul3A_289 = arith.constant 25 : i32
        %mul3A_290 = arith.muli %scan3A_87, %mul3A_289 : i32
        %add3A_291 = arith.constant 6 : i32
        %add3A_292 = arith.addi %mul3A_290, %add3A_291 : i32
        %get3A_293 = arith.index_cast %add3A_292 : i32 to index
        %get3A_294 = arith.constant 0 : index
        %get3A_295 = tpu.vector_load %arg13[%get3A_293, %get3A_294] {strides = array<i32>} : memref<400x64xf32, #tpu.memory_space<vmem>>, vector<16xf32>,
        %mul3A_296 = arith.mulf %get3A_89, %get3A_295 : vector<16xf32>
        %get3A_297 = arith.index_cast %add3A_292 : i32 to index
        %get3A_298 = arith.constant 16 : index
        %get3A_299 = tpu.vector_load %arg13[%get3A_297, %get3A_298] {strides = array<i32>} : memref<400x64xf32, #tpu.memory_space<vmem>>, vector<16xf32>,
        %mul3A_300 = arith.mulf %get3A_92, %get3A_299 : vector<16xf32>
        %add3A_301 = arith.addf %mul3A_296, %mul3A_300 : vector<16xf32>
        %get3A_302 = arith.index_cast %add3A_292 : i32 to index
        %get3A_303 = arith.constant 32 : index
        %get3A_304 = tpu.vector_load %arg13[%get3A_302, %get3A_303] {strides = array<i32>} : memref<400x64xf32, #tpu.memory_space<vmem>>, vector<16xf32>,
        %mul3A_305 = arith.mulf %get3A_95, %get3A_304 : vector<16xf32>
        %add3A_306 = arith.addf %add3A_301, %mul3A_305 : vector<16xf32>
        %get3A_307 = arith.index_cast %add3A_292 : i32 to index
        %get3A_308 = arith.constant 48 : index
        %get3A_309 = tpu.vector_load %arg13[%get3A_307, %get3A_308] {strides = array<i32>} : memref<400x64xf32, #tpu.memory_space<vmem>>, vector<16xf32>,
        %mul3A_310 = arith.mulf %get3A_98, %get3A_309 : vector<16xf32>
        %add3A_311 = arith.addf %add3A_306, %mul3A_310 : vector<16xf32>
        %eq3A_312 = arith.constant 6 : i32
        %eq3A_313 = vector.broadcast %eq3A_312 : i32 to vector<16xi32>
        %eq3A_314 = arith.cmpi eq, %iota3A, %eq3A_313 : vector<16xi32>
        %reduce_sum3A_315 = arith.constant true
        %reduce_sum3A_316 = vector.broadcast %reduce_sum3A_315 : i1 to vector<16xi1>
        %reduce_sum3A_317 = tpu.scan <sum>, %add3A_311 masked %reduce_sum3A_316 : vector<16xf32>, vector<16xi1> -> vector<16xf32>
        %reduce_sum3A_318 = vector.extract %reduce_sum3A_317[15] : f32 from vector<16xf32>
        %broadcast_in_dim3A_319 = vector.broadcast %reduce_sum3A_318 : f32 to vector<16xf32>
        %select_n3A_320 = arith.select %eq3A_314, %broadcast_in_dim3A_319, %select_n3A_288 : vector<16xi1>, vector<16xf32>
        %mul3A_321 = arith.constant 25 : i32
        %mul3A_322 = arith.muli %scan3A_87, %mul3A_321 : i32
        %add3A_323 = arith.constant 7 : i32
        %add3A_324 = arith.addi %mul3A_322, %add3A_323 : i32
        %get3A_325 = arith.index_cast %add3A_324 : i32 to index
        %get3A_326 = arith.constant 0 : index
        %get3A_327 = tpu.vector_load %arg13[%get3A_325, %get3A_326] {strides = array<i32>} : memref<400x64xf32, #tpu.memory_space<vmem>>, vector<16xf32>,
        %mul3A_328 = arith.mulf %get3A_89, %get3A_327 : vector<16xf32>
        %get3A_329 = arith.index_cast %add3A_324 : i32 to index
        %get3A_330 = arith.constant 16 : index
        %get3A_331 = tpu.vector_load %arg13[%get3A_329, %get3A_330] {strides = array<i32>} : memref<400x64xf32, #tpu.memory_space<vmem>>, vector<16xf32>,
        %mul3A_332 = arith.mulf %get3A_92, %get3A_331 : vector<16xf32>
        %add3A_333 = arith.addf %mul3A_328, %mul3A_332 : vector<16xf32>
        %get3A_334 = arith.index_cast %add3A_324 : i32 to index
        %get3A_335 = arith.constant 32 : index
        %get3A_336 = tpu.vector_load %arg13[%get3A_334, %get3A_335] {strides = array<i32>} : memref<400x64xf32, #tpu.memory_space<vmem>>, vector<16xf32>,
        %mul3A_337 = arith.mulf %get3A_95, %get3A_336 : vector<16xf32>
        %add3A_338 = arith.addf %add3A_333, %mul3A_337 : vector<16xf32>
        %get3A_339 = arith.index_cast %add3A_324 : i32 to index
        %get3A_340 = arith.constant 48 : index
        %get3A_341 = tpu.vector_load %arg13[%get3A_339, %get3A_340] {strides = array<i32>} : memref<400x64xf32, #tpu.memory_space<vmem>>, vector<16xf32>,
        %mul3A_342 = arith.mulf %get3A_98, %get3A_341 : vector<16xf32>
        %add3A_343 = arith.addf %add3A_338, %mul3A_342 : vector<16xf32>
        %eq3A_344 = arith.constant 7 : i32
        %eq3A_345 = vector.broadcast %eq3A_344 : i32 to vector<16xi32>
        %eq3A_346 = arith.cmpi eq, %iota3A, %eq3A_345 : vector<16xi32>
        %reduce_sum3A_347 = arith.constant true
        %reduce_sum3A_348 = vector.broadcast %reduce_sum3A_347 : i1 to vector<16xi1>
        %reduce_sum3A_349 = tpu.scan <sum>, %add3A_343 masked %reduce_sum3A_348 : vector<16xf32>, vector<16xi1> -> vector<16xf32>
        %reduce_sum3A_350 = vector.extract %reduce_sum3A_349[15] : f32 from vector<16xf32>
        %broadcast_in_dim3A_351 = vector.broadcast %reduce_sum3A_350 : f32 to vector<16xf32>
        %select_n3A_352 = arith.select %eq3A_346, %broadcast_in_dim3A_351, %select_n3A_320 : vector<16xi1>, vector<16xf32>
        %mul3A_353 = arith.constant 25 : i32
        %mul3A_354 = arith.muli %scan3A_87, %mul3A_353 : i32
        %add3A_355 = arith.constant 8 : i32
        %add3A_356 = arith.addi %mul3A_354, %add3A_355 : i32
        %get3A_357 = arith.index_cast %add3A_356 : i32 to index
        %get3A_358 = arith.constant 0 : index
        %get3A_359 = tpu.vector_load %arg13[%get3A_357, %get3A_358] {strides = array<i32>} : memref<400x64xf32, #tpu.memory_space<vmem>>, vector<16xf32>,
        %mul3A_360 = arith.mulf %get3A_89, %get3A_359 : vector<16xf32>
        %get3A_361 = arith.index_cast %add3A_356 : i32 to index
        %get3A_362 = arith.constant 16 : index
        %get3A_363 = tpu.vector_load %arg13[%get3A_361, %get3A_362] {strides = array<i32>} : memref<400x64xf32, #tpu.memory_space<vmem>>, vector<16xf32>,
        %mul3A_364 = arith.mulf %get3A_92, %get3A_363 : vector<16xf32>
        %add3A_365 = arith.addf %mul3A_360, %mul3A_364 : vector<16xf32>
        %get3A_366 = arith.index_cast %add3A_356 : i32 to index
        %get3A_367 = arith.constant 32 : index
        %get3A_368 = tpu.vector_load %arg13[%get3A_366, %get3A_367] {strides = array<i32>} : memref<400x64xf32, #tpu.memory_space<vmem>>, vector<16xf32>,
        %mul3A_369 = arith.mulf %get3A_95, %get3A_368 : vector<16xf32>
        %add3A_370 = arith.addf %add3A_365, %mul3A_369 : vector<16xf32>
        %get3A_371 = arith.index_cast %add3A_356 : i32 to index
        %get3A_372 = arith.constant 48 : index
        %get3A_373 = tpu.vector_load %arg13[%get3A_371, %get3A_372] {strides = array<i32>} : memref<400x64xf32, #tpu.memory_space<vmem>>, vector<16xf32>,
        %mul3A_374 = arith.mulf %get3A_98, %get3A_373 : vector<16xf32>
        %add3A_375 = arith.addf %add3A_370, %mul3A_374 : vector<16xf32>
        %eq3A_376 = arith.constant 8 : i32
        %eq3A_377 = vector.broadcast %eq3A_376 : i32 to vector<16xi32>
        %eq3A_378 = arith.cmpi eq, %iota3A, %eq3A_377 : vector<16xi32>
        %reduce_sum3A_379 = arith.constant true
        %reduce_sum3A_380 = vector.broadcast %reduce_sum3A_379 : i1 to vector<16xi1>
        %reduce_sum3A_381 = tpu.scan <sum>, %add3A_375 masked %reduce_sum3A_380 : vector<16xf32>, vector<16xi1> -> vector<16xf32>
        %reduce_sum3A_382 = vector.extract %reduce_sum3A_381[15] : f32 from vector<16xf32>
        %broadcast_in_dim3A_383 = vector.broadcast %reduce_sum3A_382 : f32 to vector<16xf32>
        %select_n3A_384 = arith.select %eq3A_378, %broadcast_in_dim3A_383, %select_n3A_352 : vector<16xi1>, vector<16xf32>
        %mul3A_385 = arith.constant 25 : i32
        %mul3A_386 = arith.muli %scan3A_87, %mul3A_385 : i32
        %add3A_387 = arith.constant 9 : i32
        %add3A_388 = arith.addi %mul3A_386, %add3A_387 : i32
        %get3A_389 = arith.index_cast %add3A_388 : i32 to index
        %get3A_390 = arith.constant 0 : index
        %get3A_391 = tpu.vector_load %arg13[%get3A_389, %get3A_390] {strides = array<i32>} : memref<400x64xf32, #tpu.memory_space<vmem>>, vector<16xf32>,
        %mul3A_392 = arith.mulf %get3A_89, %get3A_391 : vector<16xf32>
        %get3A_393 = arith.index_cast %add3A_388 : i32 to index
        %get3A_394 = arith.constant 16 : index
        %get3A_395 = tpu.vector_load %arg13[%get3A_393, %get3A_394] {strides = array<i32>} : memref<400x64xf32, #tpu.memory_space<vmem>>, vector<16xf32>,
        %mul3A_396 = arith.mulf %get3A_92, %get3A_395 : vector<16xf32>
        %add3A_397 = arith.addf %mul3A_392, %mul3A_396 : vector<16xf32>
        %get3A_398 = arith.index_cast %add3A_388 : i32 to index
        %get3A_399 = arith.constant 32 : index
        %get3A_400 = tpu.vector_load %arg13[%get3A_398, %get3A_399] {strides = array<i32>} : memref<400x64xf32, #tpu.memory_space<vmem>>, vector<16xf32>,
        %mul3A_401 = arith.mulf %get3A_95, %get3A_400 : vector<16xf32>
        %add3A_402 = arith.addf %add3A_397, %mul3A_401 : vector<16xf32>
        %get3A_403 = arith.index_cast %add3A_388 : i32 to index
        %get3A_404 = arith.constant 48 : index
        %get3A_405 = tpu.vector_load %arg13[%get3A_403, %get3A_404] {strides = array<i32>} : memref<400x64xf32, #tpu.memory_space<vmem>>, vector<16xf32>,
        %mul3A_406 = arith.mulf %get3A_98, %get3A_405 : vector<16xf32>
        %add3A_407 = arith.addf %add3A_402, %mul3A_406 : vector<16xf32>
        %eq3A_408 = arith.constant 9 : i32
        %eq3A_409 = vector.broadcast %eq3A_408 : i32 to vector<16xi32>
        %eq3A_410 = arith.cmpi eq, %iota3A, %eq3A_409 : vector<16xi32>
        %reduce_sum3A_411 = arith.constant true
        %reduce_sum3A_412 = vector.broadcast %reduce_sum3A_411 : i1 to vector<16xi1>
        %reduce_sum3A_413 = tpu.scan <sum>, %add3A_407 masked %reduce_sum3A_412 : vector<16xf32>, vector<16xi1> -> vector<16xf32>
        %reduce_sum3A_414 = vector.extract %reduce_sum3A_413[15] : f32 from vector<16xf32>
        %broadcast_in_dim3A_415 = vector.broadcast %reduce_sum3A_414 : f32 to vector<16xf32>
        %select_n3A_416 = arith.select %eq3A_410, %broadcast_in_dim3A_415, %select_n3A_384 : vector<16xi1>, vector<16xf32>
        %mul3A_417 = arith.constant 25 : i32
        %mul3A_418 = arith.muli %scan3A_87, %mul3A_417 : i32
        %add3A_419 = arith.constant 10 : i32
        %add3A_420 = arith.addi %mul3A_418, %add3A_419 : i32
        %get3A_421 = arith.index_cast %add3A_420 : i32 to index
        %get3A_422 = arith.constant 0 : index
        %get3A_423 = tpu.vector_load %arg13[%get3A_421, %get3A_422] {strides = array<i32>} : memref<400x64xf32, #tpu.memory_space<vmem>>, vector<16xf32>,
        %mul3A_424 = arith.mulf %get3A_89, %get3A_423 : vector<16xf32>
        %get3A_425 = arith.index_cast %add3A_420 : i32 to index
        %get3A_426 = arith.constant 16 : index
        %get3A_427 = tpu.vector_load %arg13[%get3A_425, %get3A_426] {strides = array<i32>} : memref<400x64xf32, #tpu.memory_space<vmem>>, vector<16xf32>,
        %mul3A_428 = arith.mulf %get3A_92, %get3A_427 : vector<16xf32>
        %add3A_429 = arith.addf %mul3A_424, %mul3A_428 : vector<16xf32>
        %get3A_430 = arith.index_cast %add3A_420 : i32 to index
        %get3A_431 = arith.constant 32 : index
        %get3A_432 = tpu.vector_load %arg13[%get3A_430, %get3A_431] {strides = array<i32>} : memref<400x64xf32, #tpu.memory_space<vmem>>, vector<16xf32>,
        %mul3A_433 = arith.mulf %get3A_95, %get3A_432 : vector<16xf32>
        %add3A_434 = arith.addf %add3A_429, %mul3A_433 : vector<16xf32>
        %get3A_435 = arith.index_cast %add3A_420 : i32 to index
        %get3A_436 = arith.constant 48 : index
        %get3A_437 = tpu.vector_load %arg13[%get3A_435, %get3A_436] {strides = array<i32>} : memref<400x64xf32, #tpu.memory_space<vmem>>, vector<16xf32>,
        %mul3A_438 = arith.mulf %get3A_98, %get3A_437 : vector<16xf32>
        %add3A_439 = arith.addf %add3A_434, %mul3A_438 : vector<16xf32>
        %eq3A_440 = arith.constant 10 : i32
        %eq3A_441 = vector.broadcast %eq3A_440 : i32 to vector<16xi32>
        %eq3A_442 = arith.cmpi eq, %iota3A, %eq3A_441 : vector<16xi32>
        %reduce_sum3A_443 = arith.constant true
        %reduce_sum3A_444 = vector.broadcast %reduce_sum3A_443 : i1 to vector<16xi1>
        %reduce_sum3A_445 = tpu.scan <sum>, %add3A_439 masked %reduce_sum3A_444 : vector<16xf32>, vector<16xi1> -> vector<16xf32>
        %reduce_sum3A_446 = vector.extract %reduce_sum3A_445[15] : f32 from vector<16xf32>
        %broadcast_in_dim3A_447 = vector.broadcast %reduce_sum3A_446 : f32 to vector<16xf32>
        %select_n3A_448 = arith.select %eq3A_442, %broadcast_in_dim3A_447, %select_n3A_416 : vector<16xi1>, vector<16xf32>
        %mul3A_449 = arith.constant 25 : i32
        %mul3A_450 = arith.muli %scan3A_87, %mul3A_449 : i32
        %add3A_451 = arith.constant 11 : i32
        %add3A_452 = arith.addi %mul3A_450, %add3A_451 : i32
        %get3A_453 = arith.index_cast %add3A_452 : i32 to index
        %get3A_454 = arith.constant 0 : index
        %get3A_455 = tpu.vector_load %arg13[%get3A_453, %get3A_454] {strides = array<i32>} : memref<400x64xf32, #tpu.memory_space<vmem>>, vector<16xf32>,
        %mul3A_456 = arith.mulf %get3A_89, %get3A_455 : vector<16xf32>
        %get3A_457 = arith.index_cast %add3A_452 : i32 to index
        %get3A_458 = arith.constant 16 : index
        %get3A_459 = tpu.vector_load %arg13[%get3A_457, %get3A_458] {strides = array<i32>} : memref<400x64xf32, #tpu.memory_space<vmem>>, vector<16xf32>,
        %mul3A_460 = arith.mulf %get3A_92, %get3A_459 : vector<16xf32>
        %add3A_461 = arith.addf %mul3A_456, %mul3A_460 : vector<16xf32>
        %get3A_462 = arith.index_cast %add3A_452 : i32 to index
        %get3A_463 = arith.constant 32 : index
        %get3A_464 = tpu.vector_load %arg13[%get3A_462, %get3A_463] {strides = array<i32>} : memref<400x64xf32, #tpu.memory_space<vmem>>, vector<16xf32>,
        %mul3A_465 = arith.mulf %get3A_95, %get3A_464 : vector<16xf32>
        %add3A_466 = arith.addf %add3A_461, %mul3A_465 : vector<16xf32>
        %get3A_467 = arith.index_cast %add3A_452 : i32 to index
        %get3A_468 = arith.constant 48 : index
        %get3A_469 = tpu.vector_load %arg13[%get3A_467, %get3A_468] {strides = array<i32>} : memref<400x64xf32, #tpu.memory_space<vmem>>, vector<16xf32>,
        %mul3A_470 = arith.mulf %get3A_98, %get3A_469 : vector<16xf32>
        %add3A_471 = arith.addf %add3A_466, %mul3A_470 : vector<16xf32>
        %eq3A_472 = arith.constant 11 : i32
        %eq3A_473 = vector.broadcast %eq3A_472 : i32 to vector<16xi32>
        %eq3A_474 = arith.cmpi eq, %iota3A, %eq3A_473 : vector<16xi32>
        %reduce_sum3A_475 = arith.constant true
        %reduce_sum3A_476 = vector.broadcast %reduce_sum3A_475 : i1 to vector<16xi1>
        %reduce_sum3A_477 = tpu.scan <sum>, %add3A_471 masked %reduce_sum3A_476 : vector<16xf32>, vector<16xi1> -> vector<16xf32>
        %reduce_sum3A_478 = vector.extract %reduce_sum3A_477[15] : f32 from vector<16xf32>
        %broadcast_in_dim3A_479 = vector.broadcast %reduce_sum3A_478 : f32 to vector<16xf32>
        %select_n3A_480 = arith.select %eq3A_474, %broadcast_in_dim3A_479, %select_n3A_448 : vector<16xi1>, vector<16xf32>
        %mul3A_481 = arith.constant 25 : i32
        %mul3A_482 = arith.muli %scan3A_87, %mul3A_481 : i32
        %add3A_483 = arith.constant 12 : i32
        %add3A_484 = arith.addi %mul3A_482, %add3A_483 : i32
        %get3A_485 = arith.index_cast %add3A_484 : i32 to index
        %get3A_486 = arith.constant 0 : index
        %get3A_487 = tpu.vector_load %arg13[%get3A_485, %get3A_486] {strides = array<i32>} : memref<400x64xf32, #tpu.memory_space<vmem>>, vector<16xf32>,
        %mul3A_488 = arith.mulf %get3A_89, %get3A_487 : vector<16xf32>
        %get3A_489 = arith.index_cast %add3A_484 : i32 to index
        %get3A_490 = arith.constant 16 : index
        %get3A_491 = tpu.vector_load %arg13[%get3A_489, %get3A_490] {strides = array<i32>} : memref<400x64xf32, #tpu.memory_space<vmem>>, vector<16xf32>,
        %mul3A_492 = arith.mulf %get3A_92, %get3A_491 : vector<16xf32>
        %add3A_493 = arith.addf %mul3A_488, %mul3A_492 : vector<16xf32>
        %get3A_494 = arith.index_cast %add3A_484 : i32 to index
        %get3A_495 = arith.constant 32 : index
        %get3A_496 = tpu.vector_load %arg13[%get3A_494, %get3A_495] {strides = array<i32>} : memref<400x64xf32, #tpu.memory_space<vmem>>, vector<16xf32>,
        %mul3A_497 = arith.mulf %get3A_95, %get3A_496 : vector<16xf32>
        %add3A_498 = arith.addf %add3A_493, %mul3A_497 : vector<16xf32>
        %get3A_499 = arith.index_cast %add3A_484 : i32 to index
        %get3A_500 = arith.constant 48 : index
        %get3A_501 = tpu.vector_load %arg13[%get3A_499, %get3A_500] {strides = array<i32>} : memref<400x64xf32, #tpu.memory_space<vmem>>, vector<16xf32>,
        %mul3A_502 = arith.mulf %get3A_98, %get3A_501 : vector<16xf32>
        %add3A_503 = arith.addf %add3A_498, %mul3A_502 : vector<16xf32>
        %eq3A_504 = arith.constant 12 : i32
        %eq3A_505 = vector.broadcast %eq3A_504 : i32 to vector<16xi32>
        %eq3A_506 = arith.cmpi eq, %iota3A, %eq3A_505 : vector<16xi32>
        %reduce_sum3A_507 = arith.constant true
        %reduce_sum3A_508 = vector.broadcast %reduce_sum3A_507 : i1 to vector<16xi1>
        %reduce_sum3A_509 = tpu.scan <sum>, %add3A_503 masked %reduce_sum3A_508 : vector<16xf32>, vector<16xi1> -> vector<16xf32>
        %reduce_sum3A_510 = vector.extract %reduce_sum3A_509[15] : f32 from vector<16xf32>
        %broadcast_in_dim3A_511 = vector.broadcast %reduce_sum3A_510 : f32 to vector<16xf32>
        %select_n3A_512 = arith.select %eq3A_506, %broadcast_in_dim3A_511, %select_n3A_480 : vector<16xi1>, vector<16xf32>
        %mul3A_513 = arith.constant 25 : i32
        %mul3A_514 = arith.muli %scan3A_87, %mul3A_513 : i32
        %add3A_515 = arith.constant 13 : i32
        %add3A_516 = arith.addi %mul3A_514, %add3A_515 : i32
        %get3A_517 = arith.index_cast %add3A_516 : i32 to index
        %get3A_518 = arith.constant 0 : index
        %get3A_519 = tpu.vector_load %arg13[%get3A_517, %get3A_518] {strides = array<i32>} : memref<400x64xf32, #tpu.memory_space<vmem>>, vector<16xf32>,
        %mul3A_520 = arith.mulf %get3A_89, %get3A_519 : vector<16xf32>
        %get3A_521 = arith.index_cast %add3A_516 : i32 to index
        %get3A_522 = arith.constant 16 : index
        %get3A_523 = tpu.vector_load %arg13[%get3A_521, %get3A_522] {strides = array<i32>} : memref<400x64xf32, #tpu.memory_space<vmem>>, vector<16xf32>,
        %mul3A_524 = arith.mulf %get3A_92, %get3A_523 : vector<16xf32>
        %add3A_525 = arith.addf %mul3A_520, %mul3A_524 : vector<16xf32>
        %get3A_526 = arith.index_cast %add3A_516 : i32 to index
        %get3A_527 = arith.constant 32 : index
        %get3A_528 = tpu.vector_load %arg13[%get3A_526, %get3A_527] {strides = array<i32>} : memref<400x64xf32, #tpu.memory_space<vmem>>, vector<16xf32>,
        %mul3A_529 = arith.mulf %get3A_95, %get3A_528 : vector<16xf32>
        %add3A_530 = arith.addf %add3A_525, %mul3A_529 : vector<16xf32>
        %get3A_531 = arith.index_cast %add3A_516 : i32 to index
        %get3A_532 = arith.constant 48 : index
        %get3A_533 = tpu.vector_load %arg13[%get3A_531, %get3A_532] {strides = array<i32>} : memref<400x64xf32, #tpu.memory_space<vmem>>, vector<16xf32>,
        %mul3A_534 = arith.mulf %get3A_98, %get3A_533 : vector<16xf32>
        %add3A_535 = arith.addf %add3A_530, %mul3A_534 : vector<16xf32>
        %eq3A_536 = arith.constant 13 : i32
        %eq3A_537 = vector.broadcast %eq3A_536 : i32 to vector<16xi32>
        %eq3A_538 = arith.cmpi eq, %iota3A, %eq3A_537 : vector<16xi32>
        %reduce_sum3A_539 = arith.constant true
        %reduce_sum3A_540 = vector.broadcast %reduce_sum3A_539 : i1 to vector<16xi1>
        %reduce_sum3A_541 = tpu.scan <sum>, %add3A_535 masked %reduce_sum3A_540 : vector<16xf32>, vector<16xi1> -> vector<16xf32>
        %reduce_sum3A_542 = vector.extract %reduce_sum3A_541[15] : f32 from vector<16xf32>
        %broadcast_in_dim3A_543 = vector.broadcast %reduce_sum3A_542 : f32 to vector<16xf32>
        %select_n3A_544 = arith.select %eq3A_538, %broadcast_in_dim3A_543, %select_n3A_512 : vector<16xi1>, vector<16xf32>
        %mul3A_545 = arith.constant 25 : i32
        %mul3A_546 = arith.muli %scan3A_87, %mul3A_545 : i32
        %add3A_547 = arith.constant 14 : i32
        %add3A_548 = arith.addi %mul3A_546, %add3A_547 : i32
        %get3A_549 = arith.index_cast %add3A_548 : i32 to index
        %get3A_550 = arith.constant 0 : index
        %get3A_551 = tpu.vector_load %arg13[%get3A_549, %get3A_550] {strides = array<i32>} : memref<400x64xf32, #tpu.memory_space<vmem>>, vector<16xf32>,
        %mul3A_552 = arith.mulf %get3A_89, %get3A_551 : vector<16xf32>
        %get3A_553 = arith.index_cast %add3A_548 : i32 to index
        %get3A_554 = arith.constant 16 : index
        %get3A_555 = tpu.vector_load %arg13[%get3A_553, %get3A_554] {strides = array<i32>} : memref<400x64xf32, #tpu.memory_space<vmem>>, vector<16xf32>,
        %mul3A_556 = arith.mulf %get3A_92, %get3A_555 : vector<16xf32>
        %add3A_557 = arith.addf %mul3A_552, %mul3A_556 : vector<16xf32>
        %get3A_558 = arith.index_cast %add3A_548 : i32 to index
        %get3A_559 = arith.constant 32 : index
        %get3A_560 = tpu.vector_load %arg13[%get3A_558, %get3A_559] {strides = array<i32>} : memref<400x64xf32, #tpu.memory_space<vmem>>, vector<16xf32>,
        %mul3A_561 = arith.mulf %get3A_95, %get3A_560 : vector<16xf32>
        %add3A_562 = arith.addf %add3A_557, %mul3A_561 : vector<16xf32>
        %get3A_563 = arith.index_cast %add3A_548 : i32 to index
        %get3A_564 = arith.constant 48 : index
        %get3A_565 = tpu.vector_load %arg13[%get3A_563, %get3A_564] {strides = array<i32>} : memref<400x64xf32, #tpu.memory_space<vmem>>, vector<16xf32>,
        %mul3A_566 = arith.mulf %get3A_98, %get3A_565 : vector<16xf32>
        %add3A_567 = arith.addf %add3A_562, %mul3A_566 : vector<16xf32>
        %eq3A_568 = arith.constant 14 : i32
        %eq3A_569 = vector.broadcast %eq3A_568 : i32 to vector<16xi32>
        %eq3A_570 = arith.cmpi eq, %iota3A, %eq3A_569 : vector<16xi32>
        %reduce_sum3A_571 = arith.constant true
        %reduce_sum3A_572 = vector.broadcast %reduce_sum3A_571 : i1 to vector<16xi1>
        %reduce_sum3A_573 = tpu.scan <sum>, %add3A_567 masked %reduce_sum3A_572 : vector<16xf32>, vector<16xi1> -> vector<16xf32>
        %reduce_sum3A_574 = vector.extract %reduce_sum3A_573[15] : f32 from vector<16xf32>
        %broadcast_in_dim3A_575 = vector.broadcast %reduce_sum3A_574 : f32 to vector<16xf32>
        %select_n3A_576 = arith.select %eq3A_570, %broadcast_in_dim3A_575, %select_n3A_544 : vector<16xi1>, vector<16xf32>
        %mul3A_577 = arith.constant 25 : i32
        %mul3A_578 = arith.muli %scan3A_87, %mul3A_577 : i32
        %add3A_579 = arith.constant 15 : i32
        %add3A_580 = arith.addi %mul3A_578, %add3A_579 : i32
        %get3A_581 = arith.index_cast %add3A_580 : i32 to index
        %get3A_582 = arith.constant 0 : index
        %get3A_583 = tpu.vector_load %arg13[%get3A_581, %get3A_582] {strides = array<i32>} : memref<400x64xf32, #tpu.memory_space<vmem>>, vector<16xf32>,
        %mul3A_584 = arith.mulf %get3A_89, %get3A_583 : vector<16xf32>
        %get3A_585 = arith.index_cast %add3A_580 : i32 to index
        %get3A_586 = arith.constant 16 : index
        %get3A_587 = tpu.vector_load %arg13[%get3A_585, %get3A_586] {strides = array<i32>} : memref<400x64xf32, #tpu.memory_space<vmem>>, vector<16xf32>,
        %mul3A_588 = arith.mulf %get3A_92, %get3A_587 : vector<16xf32>
        %add3A_589 = arith.addf %mul3A_584, %mul3A_588 : vector<16xf32>
        %get3A_590 = arith.index_cast %add3A_580 : i32 to index
        %get3A_591 = arith.constant 32 : index
        %get3A_592 = tpu.vector_load %arg13[%get3A_590, %get3A_591] {strides = array<i32>} : memref<400x64xf32, #tpu.memory_space<vmem>>, vector<16xf32>,
        %mul3A_593 = arith.mulf %get3A_95, %get3A_592 : vector<16xf32>
        %add3A_594 = arith.addf %add3A_589, %mul3A_593 : vector<16xf32>
        %get3A_595 = arith.index_cast %add3A_580 : i32 to index
        %get3A_596 = arith.constant 48 : index
        %get3A_597 = tpu.vector_load %arg13[%get3A_595, %get3A_596] {strides = array<i32>} : memref<400x64xf32, #tpu.memory_space<vmem>>, vector<16xf32>,
        %mul3A_598 = arith.mulf %get3A_98, %get3A_597 : vector<16xf32>
        %add3A_599 = arith.addf %add3A_594, %mul3A_598 : vector<16xf32>
        %eq3A_600 = arith.constant 15 : i32
        %eq3A_601 = vector.broadcast %eq3A_600 : i32 to vector<16xi32>
        %eq3A_602 = arith.cmpi eq, %iota3A, %eq3A_601 : vector<16xi32>
        %reduce_sum3A_603 = arith.constant true
        %reduce_sum3A_604 = vector.broadcast %reduce_sum3A_603 : i1 to vector<16xi1>
        %reduce_sum3A_605 = tpu.scan <sum>, %add3A_599 masked %reduce_sum3A_604 : vector<16xf32>, vector<16xi1> -> vector<16xf32>
        %reduce_sum3A_606 = vector.extract %reduce_sum3A_605[15] : f32 from vector<16xf32>
        %broadcast_in_dim3A_607 = vector.broadcast %reduce_sum3A_606 : f32 to vector<16xf32>
        %select_n3A_608 = arith.select %eq3A_602, %broadcast_in_dim3A_607, %select_n3A_576 : vector<16xi1>, vector<16xf32>
        %swap3A = arith.index_cast %scan3A_87 : i32 to index
        %swap3A_609 = arith.constant 0 : index
        %swap3A_610 = tpu.vector_load %arg14[%swap3A, %swap3A_609] {strides = array<i32>} : memref<16x32xf32, #tpu.memory_space<vmem>>, vector<16xf32>,
        tpu.vector_store %arg14[%swap3A, %swap3A_609], %select_n3A_608 {strides = array<i32>} : memref<16x32xf32, #tpu.memory_space<vmem>>, vector<16xf32>,
        %broadcast_in_dim3A_611 = arith.constant 0.000000e+00 : f32
        %broadcast_in_dim3A_612 = vector.broadcast %broadcast_in_dim3A_611 : f32 to vector<16xf32>
        %mul3A_613 = arith.constant 25 : i32
        %mul3A_614 = arith.muli %scan3A_87, %mul3A_613 : i32
        %add3A_615 = arith.constant 16 : i32
        %add3A_616 = arith.addi %mul3A_614, %add3A_615 : i32
        %get3A_617 = arith.index_cast %add3A_616 : i32 to index
        %get3A_618 = arith.constant 0 : index
        %get3A_619 = tpu.vector_load %arg13[%get3A_617, %get3A_618] {strides = array<i32>} : memref<400x64xf32, #tpu.memory_space<vmem>>, vector<16xf32>,
        %mul3A_620 = arith.mulf %get3A_89, %get3A_619 : vector<16xf32>
        %get3A_621 = arith.index_cast %add3A_616 : i32 to index
        %get3A_622 = arith.constant 16 : index
        %get3A_623 = tpu.vector_load %arg13[%get3A_621, %get3A_622] {strides = array<i32>} : memref<400x64xf32, #tpu.memory_space<vmem>>, vector<16xf32>,
        %mul3A_624 = arith.mulf %get3A_92, %get3A_623 : vector<16xf32>
        %add3A_625 = arith.addf %mul3A_620, %mul3A_624 : vector<16xf32>
        %get3A_626 = arith.index_cast %add3A_616 : i32 to index
        %get3A_627 = arith.constant 32 : index
        %get3A_628 = tpu.vector_load %arg13[%get3A_626, %get3A_627] {strides = array<i32>} : memref<400x64xf32, #tpu.memory_space<vmem>>, vector<16xf32>,
        %mul3A_629 = arith.mulf %get3A_95, %get3A_628 : vector<16xf32>
        %add3A_630 = arith.addf %add3A_625, %mul3A_629 : vector<16xf32>
        %get3A_631 = arith.index_cast %add3A_616 : i32 to index
        %get3A_632 = arith.constant 48 : index
        %get3A_633 = tpu.vector_load %arg13[%get3A_631, %get3A_632] {strides = array<i32>} : memref<400x64xf32, #tpu.memory_space<vmem>>, vector<16xf32>,
        %mul3A_634 = arith.mulf %get3A_98, %get3A_633 : vector<16xf32>
        %add3A_635 = arith.addf %add3A_630, %mul3A_634 : vector<16xf32>
        %eq3A_636 = arith.constant 0 : i32
        %eq3A_637 = vector.broadcast %eq3A_636 : i32 to vector<16xi32>
        %eq3A_638 = arith.cmpi eq, %iota3A, %eq3A_637 : vector<16xi32>
        %reduce_sum3A_639 = arith.constant true
        %reduce_sum3A_640 = vector.broadcast %reduce_sum3A_639 : i1 to vector<16xi1>
        %reduce_sum3A_641 = tpu.scan <sum>, %add3A_635 masked %reduce_sum3A_640 : vector<16xf32>, vector<16xi1> -> vector<16xf32>
        %reduce_sum3A_642 = vector.extract %reduce_sum3A_641[15] : f32 from vector<16xf32>
        %broadcast_in_dim3A_643 = vector.broadcast %reduce_sum3A_642 : f32 to vector<16xf32>
        %select_n3A_644 = arith.select %eq3A_638, %broadcast_in_dim3A_643, %broadcast_in_dim3A_612 : vector<16xi1>, vector<16xf32>
        %mul3A_645 = arith.constant 25 : i32
        %mul3A_646 = arith.muli %scan3A_87, %mul3A_645 : i32
        %add3A_647 = arith.constant 17 : i32
        %add3A_648 = arith.addi %mul3A_646, %add3A_647 : i32
        %get3A_649 = arith.index_cast %add3A_648 : i32 to index
        %get3A_650 = arith.constant 0 : index
        %get3A_651 = tpu.vector_load %arg13[%get3A_649, %get3A_650] {strides = array<i32>} : memref<400x64xf32, #tpu.memory_space<vmem>>, vector<16xf32>,
        %mul3A_652 = arith.mulf %get3A_89, %get3A_651 : vector<16xf32>
        %get3A_653 = arith.index_cast %add3A_648 : i32 to index
        %get3A_654 = arith.constant 16 : index
        %get3A_655 = tpu.vector_load %arg13[%get3A_653, %get3A_654] {strides = array<i32>} : memref<400x64xf32, #tpu.memory_space<vmem>>, vector<16xf32>,
        %mul3A_656 = arith.mulf %get3A_92, %get3A_655 : vector<16xf32>
        %add3A_657 = arith.addf %mul3A_652, %mul3A_656 : vector<16xf32>
        %get3A_658 = arith.index_cast %add3A_648 : i32 to index
        %get3A_659 = arith.constant 32 : index
        %get3A_660 = tpu.vector_load %arg13[%get3A_658, %get3A_659] {strides = array<i32>} : memref<400x64xf32, #tpu.memory_space<vmem>>, vector<16xf32>,
        %mul3A_661 = arith.mulf %get3A_95, %get3A_660 : vector<16xf32>
        %add3A_662 = arith.addf %add3A_657, %mul3A_661 : vector<16xf32>
        %get3A_663 = arith.index_cast %add3A_648 : i32 to index
        %get3A_664 = arith.constant 48 : index
        %get3A_665 = tpu.vector_load %arg13[%get3A_663, %get3A_664] {strides = array<i32>} : memref<400x64xf32, #tpu.memory_space<vmem>>, vector<16xf32>,
        %mul3A_666 = arith.mulf %get3A_98, %get3A_665 : vector<16xf32>
        %add3A_667 = arith.addf %add3A_662, %mul3A_666 : vector<16xf32>
        %eq3A_668 = arith.constant 1 : i32
        %eq3A_669 = vector.broadcast %eq3A_668 : i32 to vector<16xi32>
        %eq3A_670 = arith.cmpi eq, %iota3A, %eq3A_669 : vector<16xi32>
        %reduce_sum3A_671 = arith.constant true
        %reduce_sum3A_672 = vector.broadcast %reduce_sum3A_671 : i1 to vector<16xi1>
        %reduce_sum3A_673 = tpu.scan <sum>, %add3A_667 masked %reduce_sum3A_672 : vector<16xf32>, vector<16xi1> -> vector<16xf32>
        %reduce_sum3A_674 = vector.extract %reduce_sum3A_673[15] : f32 from vector<16xf32>
        %broadcast_in_dim3A_675 = vector.broadcast %reduce_sum3A_674 : f32 to vector<16xf32>
        %select_n3A_676 = arith.select %eq3A_670, %broadcast_in_dim3A_675, %select_n3A_644 : vector<16xi1>, vector<16xf32>
        %mul3A_677 = arith.constant 25 : i32
        %mul3A_678 = arith.muli %scan3A_87, %mul3A_677 : i32
        %add3A_679 = arith.constant 18 : i32
        %add3A_680 = arith.addi %mul3A_678, %add3A_679 : i32
        %get3A_681 = arith.index_cast %add3A_680 : i32 to index
        %get3A_682 = arith.constant 0 : index
        %get3A_683 = tpu.vector_load %arg13[%get3A_681, %get3A_682] {strides = array<i32>} : memref<400x64xf32, #tpu.memory_space<vmem>>, vector<16xf32>,
        %mul3A_684 = arith.mulf %get3A_89, %get3A_683 : vector<16xf32>
        %get3A_685 = arith.index_cast %add3A_680 : i32 to index
        %get3A_686 = arith.constant 16 : index
        %get3A_687 = tpu.vector_load %arg13[%get3A_685, %get3A_686] {strides = array<i32>} : memref<400x64xf32, #tpu.memory_space<vmem>>, vector<16xf32>,
        %mul3A_688 = arith.mulf %get3A_92, %get3A_687 : vector<16xf32>
        %add3A_689 = arith.addf %mul3A_684, %mul3A_688 : vector<16xf32>
        %get3A_690 = arith.index_cast %add3A_680 : i32 to index
        %get3A_691 = arith.constant 32 : index
        %get3A_692 = tpu.vector_load %arg13[%get3A_690, %get3A_691] {strides = array<i32>} : memref<400x64xf32, #tpu.memory_space<vmem>>, vector<16xf32>,
        %mul3A_693 = arith.mulf %get3A_95, %get3A_692 : vector<16xf32>
        %add3A_694 = arith.addf %add3A_689, %mul3A_693 : vector<16xf32>
        %get3A_695 = arith.index_cast %add3A_680 : i32 to index
        %get3A_696 = arith.constant 48 : index
        %get3A_697 = tpu.vector_load %arg13[%get3A_695, %get3A_696] {strides = array<i32>} : memref<400x64xf32, #tpu.memory_space<vmem>>, vector<16xf32>,
        %mul3A_698 = arith.mulf %get3A_98, %get3A_697 : vector<16xf32>
        %add3A_699 = arith.addf %add3A_694, %mul3A_698 : vector<16xf32>
        %eq3A_700 = arith.constant 2 : i32
        %eq3A_701 = vector.broadcast %eq3A_700 : i32 to vector<16xi32>
        %eq3A_702 = arith.cmpi eq, %iota3A, %eq3A_701 : vector<16xi32>
        %reduce_sum3A_703 = arith.constant true
        %reduce_sum3A_704 = vector.broadcast %reduce_sum3A_703 : i1 to vector<16xi1>
        %reduce_sum3A_705 = tpu.scan <sum>, %add3A_699 masked %reduce_sum3A_704 : vector<16xf32>, vector<16xi1> -> vector<16xf32>
        %reduce_sum3A_706 = vector.extract %reduce_sum3A_705[15] : f32 from vector<16xf32>
        %broadcast_in_dim3A_707 = vector.broadcast %reduce_sum3A_706 : f32 to vector<16xf32>
        %select_n3A_708 = arith.select %eq3A_702, %broadcast_in_dim3A_707, %select_n3A_676 : vector<16xi1>, vector<16xf32>
        %mul3A_709 = arith.constant 25 : i32
        %mul3A_710 = arith.muli %scan3A_87, %mul3A_709 : i32
        %add3A_711 = arith.constant 19 : i32
        %add3A_712 = arith.addi %mul3A_710, %add3A_711 : i32
        %get3A_713 = arith.index_cast %add3A_712 : i32 to index
        %get3A_714 = arith.constant 0 : index
        %get3A_715 = tpu.vector_load %arg13[%get3A_713, %get3A_714] {strides = array<i32>} : memref<400x64xf32, #tpu.memory_space<vmem>>, vector<16xf32>,
        %mul3A_716 = arith.mulf %get3A_89, %get3A_715 : vector<16xf32>
        %get3A_717 = arith.index_cast %add3A_712 : i32 to index
        %get3A_718 = arith.constant 16 : index
        %get3A_719 = tpu.vector_load %arg13[%get3A_717, %get3A_718] {strides = array<i32>} : memref<400x64xf32, #tpu.memory_space<vmem>>, vector<16xf32>,
        %mul3A_720 = arith.mulf %get3A_92, %get3A_719 : vector<16xf32>
        %add3A_721 = arith.addf %mul3A_716, %mul3A_720 : vector<16xf32>
        %get3A_722 = arith.index_cast %add3A_712 : i32 to index
        %get3A_723 = arith.constant 32 : index
        %get3A_724 = tpu.vector_load %arg13[%get3A_722, %get3A_723] {strides = array<i32>} : memref<400x64xf32, #tpu.memory_space<vmem>>, vector<16xf32>,
        %mul3A_725 = arith.mulf %get3A_95, %get3A_724 : vector<16xf32>
        %add3A_726 = arith.addf %add3A_721, %mul3A_725 : vector<16xf32>
        %get3A_727 = arith.index_cast %add3A_712 : i32 to index
        %get3A_728 = arith.constant 48 : index
        %get3A_729 = tpu.vector_load %arg13[%get3A_727, %get3A_728] {strides = array<i32>} : memref<400x64xf32, #tpu.memory_space<vmem>>, vector<16xf32>,
        %mul3A_730 = arith.mulf %get3A_98, %get3A_729 : vector<16xf32>
        %add3A_731 = arith.addf %add3A_726, %mul3A_730 : vector<16xf32>
        %eq3A_732 = arith.constant 3 : i32
        %eq3A_733 = vector.broadcast %eq3A_732 : i32 to vector<16xi32>
        %eq3A_734 = arith.cmpi eq, %iota3A, %eq3A_733 : vector<16xi32>
        %reduce_sum3A_735 = arith.constant true
        %reduce_sum3A_736 = vector.broadcast %reduce_sum3A_735 : i1 to vector<16xi1>
        %reduce_sum3A_737 = tpu.scan <sum>, %add3A_731 masked %reduce_sum3A_736 : vector<16xf32>, vector<16xi1> -> vector<16xf32>
        %reduce_sum3A_738 = vector.extract %reduce_sum3A_737[15] : f32 from vector<16xf32>
        %broadcast_in_dim3A_739 = vector.broadcast %reduce_sum3A_738 : f32 to vector<16xf32>
        %select_n3A_740 = arith.select %eq3A_734, %broadcast_in_dim3A_739, %select_n3A_708 : vector<16xi1>, vector<16xf32>
        %mul3A_741 = arith.constant 25 : i32
        %mul3A_742 = arith.muli %scan3A_87, %mul3A_741 : i32
        %add3A_743 = arith.constant 20 : i32
        %add3A_744 = arith.addi %mul3A_742, %add3A_743 : i32
        %get3A_745 = arith.index_cast %add3A_744 : i32 to index
        %get3A_746 = arith.constant 0 : index
        %get3A_747 = tpu.vector_load %arg13[%get3A_745, %get3A_746] {strides = array<i32>} : memref<400x64xf32, #tpu.memory_space<vmem>>, vector<16xf32>,
        %mul3A_748 = arith.mulf %get3A_89, %get3A_747 : vector<16xf32>
        %get3A_749 = arith.index_cast %add3A_744 : i32 to index
        %get3A_750 = arith.constant 16 : index
        %get3A_751 = tpu.vector_load %arg13[%get3A_749, %get3A_750] {strides = array<i32>} : memref<400x64xf32, #tpu.memory_space<vmem>>, vector<16xf32>,
        %mul3A_752 = arith.mulf %get3A_92, %get3A_751 : vector<16xf32>
        %add3A_753 = arith.addf %mul3A_748, %mul3A_752 : vector<16xf32>
        %get3A_754 = arith.index_cast %add3A_744 : i32 to index
        %get3A_755 = arith.constant 32 : index
        %get3A_756 = tpu.vector_load %arg13[%get3A_754, %get3A_755] {strides = array<i32>} : memref<400x64xf32, #tpu.memory_space<vmem>>, vector<16xf32>,
        %mul3A_757 = arith.mulf %get3A_95, %get3A_756 : vector<16xf32>
        %add3A_758 = arith.addf %add3A_753, %mul3A_757 : vector<16xf32>
        %get3A_759 = arith.index_cast %add3A_744 : i32 to index
        %get3A_760 = arith.constant 48 : index
        %get3A_761 = tpu.vector_load %arg13[%get3A_759, %get3A_760] {strides = array<i32>} : memref<400x64xf32, #tpu.memory_space<vmem>>, vector<16xf32>,
        %mul3A_762 = arith.mulf %get3A_98, %get3A_761 : vector<16xf32>
        %add3A_763 = arith.addf %add3A_758, %mul3A_762 : vector<16xf32>
        %eq3A_764 = arith.constant 4 : i32
        %eq3A_765 = vector.broadcast %eq3A_764 : i32 to vector<16xi32>
        %eq3A_766 = arith.cmpi eq, %iota3A, %eq3A_765 : vector<16xi32>
        %reduce_sum3A_767 = arith.constant true
        %reduce_sum3A_768 = vector.broadcast %reduce_sum3A_767 : i1 to vector<16xi1>
        %reduce_sum3A_769 = tpu.scan <sum>, %add3A_763 masked %reduce_sum3A_768 : vector<16xf32>, vector<16xi1> -> vector<16xf32>
        %reduce_sum3A_770 = vector.extract %reduce_sum3A_769[15] : f32 from vector<16xf32>
        %broadcast_in_dim3A_771 = vector.broadcast %reduce_sum3A_770 : f32 to vector<16xf32>
        %select_n3A_772 = arith.select %eq3A_766, %broadcast_in_dim3A_771, %select_n3A_740 : vector<16xi1>, vector<16xf32>
        %mul3A_773 = arith.constant 25 : i32
        %mul3A_774 = arith.muli %scan3A_87, %mul3A_773 : i32
        %add3A_775 = arith.constant 21 : i32
        %add3A_776 = arith.addi %mul3A_774, %add3A_775 : i32
        %get3A_777 = arith.index_cast %add3A_776 : i32 to index
        %get3A_778 = arith.constant 0 : index
        %get3A_779 = tpu.vector_load %arg13[%get3A_777, %get3A_778] {strides = array<i32>} : memref<400x64xf32, #tpu.memory_space<vmem>>, vector<16xf32>,
        %mul3A_780 = arith.mulf %get3A_89, %get3A_779 : vector<16xf32>
        %get3A_781 = arith.index_cast %add3A_776 : i32 to index
        %get3A_782 = arith.constant 16 : index
        %get3A_783 = tpu.vector_load %arg13[%get3A_781, %get3A_782] {strides = array<i32>} : memref<400x64xf32, #tpu.memory_space<vmem>>, vector<16xf32>,
        %mul3A_784 = arith.mulf %get3A_92, %get3A_783 : vector<16xf32>
        %add3A_785 = arith.addf %mul3A_780, %mul3A_784 : vector<16xf32>
        %get3A_786 = arith.index_cast %add3A_776 : i32 to index
        %get3A_787 = arith.constant 32 : index
        %get3A_788 = tpu.vector_load %arg13[%get3A_786, %get3A_787] {strides = array<i32>} : memref<400x64xf32, #tpu.memory_space<vmem>>, vector<16xf32>,
        %mul3A_789 = arith.mulf %get3A_95, %get3A_788 : vector<16xf32>
        %add3A_790 = arith.addf %add3A_785, %mul3A_789 : vector<16xf32>
        %get3A_791 = arith.index_cast %add3A_776 : i32 to index
        %get3A_792 = arith.constant 48 : index
        %get3A_793 = tpu.vector_load %arg13[%get3A_791, %get3A_792] {strides = array<i32>} : memref<400x64xf32, #tpu.memory_space<vmem>>, vector<16xf32>,
        %mul3A_794 = arith.mulf %get3A_98, %get3A_793 : vector<16xf32>
        %add3A_795 = arith.addf %add3A_790, %mul3A_794 : vector<16xf32>
        %eq3A_796 = arith.constant 5 : i32
        %eq3A_797 = vector.broadcast %eq3A_796 : i32 to vector<16xi32>
        %eq3A_798 = arith.cmpi eq, %iota3A, %eq3A_797 : vector<16xi32>
        %reduce_sum3A_799 = arith.constant true
        %reduce_sum3A_800 = vector.broadcast %reduce_sum3A_799 : i1 to vector<16xi1>
        %reduce_sum3A_801 = tpu.scan <sum>, %add3A_795 masked %reduce_sum3A_800 : vector<16xf32>, vector<16xi1> -> vector<16xf32>
        %reduce_sum3A_802 = vector.extract %reduce_sum3A_801[15] : f32 from vector<16xf32>
        %broadcast_in_dim3A_803 = vector.broadcast %reduce_sum3A_802 : f32 to vector<16xf32>
        %select_n3A_804 = arith.select %eq3A_798, %broadcast_in_dim3A_803, %select_n3A_772 : vector<16xi1>, vector<16xf32>
        %mul3A_805 = arith.constant 25 : i32
        %mul3A_806 = arith.muli %scan3A_87, %mul3A_805 : i32
        %add3A_807 = arith.constant 22 : i32
        %add3A_808 = arith.addi %mul3A_806, %add3A_807 : i32
        %get3A_809 = arith.index_cast %add3A_808 : i32 to index
        %get3A_810 = arith.constant 0 : index
        %get3A_811 = tpu.vector_load %arg13[%get3A_809, %get3A_810] {strides = array<i32>} : memref<400x64xf32, #tpu.memory_space<vmem>>, vector<16xf32>,
        %mul3A_812 = arith.mulf %get3A_89, %get3A_811 : vector<16xf32>
        %get3A_813 = arith.index_cast %add3A_808 : i32 to index
        %get3A_814 = arith.constant 16 : index
        %get3A_815 = tpu.vector_load %arg13[%get3A_813, %get3A_814] {strides = array<i32>} : memref<400x64xf32, #tpu.memory_space<vmem>>, vector<16xf32>,
        %mul3A_816 = arith.mulf %get3A_92, %get3A_815 : vector<16xf32>
        %add3A_817 = arith.addf %mul3A_812, %mul3A_816 : vector<16xf32>
        %get3A_818 = arith.index_cast %add3A_808 : i32 to index
        %get3A_819 = arith.constant 32 : index
        %get3A_820 = tpu.vector_load %arg13[%get3A_818, %get3A_819] {strides = array<i32>} : memref<400x64xf32, #tpu.memory_space<vmem>>, vector<16xf32>,
        %mul3A_821 = arith.mulf %get3A_95, %get3A_820 : vector<16xf32>
        %add3A_822 = arith.addf %add3A_817, %mul3A_821 : vector<16xf32>
        %get3A_823 = arith.index_cast %add3A_808 : i32 to index
        %get3A_824 = arith.constant 48 : index
        %get3A_825 = tpu.vector_load %arg13[%get3A_823, %get3A_824] {strides = array<i32>} : memref<400x64xf32, #tpu.memory_space<vmem>>, vector<16xf32>,
        %mul3A_826 = arith.mulf %get3A_98, %get3A_825 : vector<16xf32>
        %add3A_827 = arith.addf %add3A_822, %mul3A_826 : vector<16xf32>
        %eq3A_828 = arith.constant 6 : i32
        %eq3A_829 = vector.broadcast %eq3A_828 : i32 to vector<16xi32>
        %eq3A_830 = arith.cmpi eq, %iota3A, %eq3A_829 : vector<16xi32>
        %reduce_sum3A_831 = arith.constant true
        %reduce_sum3A_832 = vector.broadcast %reduce_sum3A_831 : i1 to vector<16xi1>
        %reduce_sum3A_833 = tpu.scan <sum>, %add3A_827 masked %reduce_sum3A_832 : vector<16xf32>, vector<16xi1> -> vector<16xf32>
        %reduce_sum3A_834 = vector.extract %reduce_sum3A_833[15] : f32 from vector<16xf32>
        %broadcast_in_dim3A_835 = vector.broadcast %reduce_sum3A_834 : f32 to vector<16xf32>
        %select_n3A_836 = arith.select %eq3A_830, %broadcast_in_dim3A_835, %select_n3A_804 : vector<16xi1>, vector<16xf32>
        %mul3A_837 = arith.constant 25 : i32
        %mul3A_838 = arith.muli %scan3A_87, %mul3A_837 : i32
        %add3A_839 = arith.constant 23 : i32
        %add3A_840 = arith.addi %mul3A_838, %add3A_839 : i32
        %get3A_841 = arith.index_cast %add3A_840 : i32 to index
        %get3A_842 = arith.constant 0 : index
        %get3A_843 = tpu.vector_load %arg13[%get3A_841, %get3A_842] {strides = array<i32>} : memref<400x64xf32, #tpu.memory_space<vmem>>, vector<16xf32>,
        %mul3A_844 = arith.mulf %get3A_89, %get3A_843 : vector<16xf32>
        %get3A_845 = arith.index_cast %add3A_840 : i32 to index
        %get3A_846 = arith.constant 16 : index
        %get3A_847 = tpu.vector_load %arg13[%get3A_845, %get3A_846] {strides = array<i32>} : memref<400x64xf32, #tpu.memory_space<vmem>>, vector<16xf32>,
        %mul3A_848 = arith.mulf %get3A_92, %get3A_847 : vector<16xf32>
        %add3A_849 = arith.addf %mul3A_844, %mul3A_848 : vector<16xf32>
        %get3A_850 = arith.index_cast %add3A_840 : i32 to index
        %get3A_851 = arith.constant 32 : index
        %get3A_852 = tpu.vector_load %arg13[%get3A_850, %get3A_851] {strides = array<i32>} : memref<400x64xf32, #tpu.memory_space<vmem>>, vector<16xf32>,
        %mul3A_853 = arith.mulf %get3A_95, %get3A_852 : vector<16xf32>
        %add3A_854 = arith.addf %add3A_849, %mul3A_853 : vector<16xf32>
        %get3A_855 = arith.index_cast %add3A_840 : i32 to index
        %get3A_856 = arith.constant 48 : index
        %get3A_857 = tpu.vector_load %arg13[%get3A_855, %get3A_856] {strides = array<i32>} : memref<400x64xf32, #tpu.memory_space<vmem>>, vector<16xf32>,
        %mul3A_858 = arith.mulf %get3A_98, %get3A_857 : vector<16xf32>
        %add3A_859 = arith.addf %add3A_854, %mul3A_858 : vector<16xf32>
        %eq3A_860 = arith.constant 7 : i32
        %eq3A_861 = vector.broadcast %eq3A_860 : i32 to vector<16xi32>
        %eq3A_862 = arith.cmpi eq, %iota3A, %eq3A_861 : vector<16xi32>
        %reduce_sum3A_863 = arith.constant true
        %reduce_sum3A_864 = vector.broadcast %reduce_sum3A_863 : i1 to vector<16xi1>
        %reduce_sum3A_865 = tpu.scan <sum>, %add3A_859 masked %reduce_sum3A_864 : vector<16xf32>, vector<16xi1> -> vector<16xf32>
        %reduce_sum3A_866 = vector.extract %reduce_sum3A_865[15] : f32 from vector<16xf32>
        %broadcast_in_dim3A_867 = vector.broadcast %reduce_sum3A_866 : f32 to vector<16xf32>
        %select_n3A_868 = arith.select %eq3A_862, %broadcast_in_dim3A_867, %select_n3A_836 : vector<16xi1>, vector<16xf32>
        %mul3A_869 = arith.constant 25 : i32
        %mul3A_870 = arith.muli %scan3A_87, %mul3A_869 : i32
        %add3A_871 = arith.constant 24 : i32
        %add3A_872 = arith.addi %mul3A_870, %add3A_871 : i32
        %get3A_873 = arith.index_cast %add3A_872 : i32 to index
        %get3A_874 = arith.constant 0 : index
        %get3A_875 = tpu.vector_load %arg13[%get3A_873, %get3A_874] {strides = array<i32>} : memref<400x64xf32, #tpu.memory_space<vmem>>, vector<16xf32>,
        %mul3A_876 = arith.mulf %get3A_89, %get3A_875 : vector<16xf32>
        %get3A_877 = arith.index_cast %add3A_872 : i32 to index
        %get3A_878 = arith.constant 16 : index
        %get3A_879 = tpu.vector_load %arg13[%get3A_877, %get3A_878] {strides = array<i32>} : memref<400x64xf32, #tpu.memory_space<vmem>>, vector<16xf32>,
        %mul3A_880 = arith.mulf %get3A_92, %get3A_879 : vector<16xf32>
        %add3A_881 = arith.addf %mul3A_876, %mul3A_880 : vector<16xf32>
        %get3A_882 = arith.index_cast %add3A_872 : i32 to index
        %get3A_883 = arith.constant 32 : index
        %get3A_884 = tpu.vector_load %arg13[%get3A_882, %get3A_883] {strides = array<i32>} : memref<400x64xf32, #tpu.memory_space<vmem>>, vector<16xf32>,
        %mul3A_885 = arith.mulf %get3A_95, %get3A_884 : vector<16xf32>
        %add3A_886 = arith.addf %add3A_881, %mul3A_885 : vector<16xf32>
        %get3A_887 = arith.index_cast %add3A_872 : i32 to index
        %get3A_888 = arith.constant 48 : index
        %get3A_889 = tpu.vector_load %arg13[%get3A_887, %get3A_888] {strides = array<i32>} : memref<400x64xf32, #tpu.memory_space<vmem>>, vector<16xf32>,
        %mul3A_890 = arith.mulf %get3A_98, %get3A_889 : vector<16xf32>
        %add3A_891 = arith.addf %add3A_886, %mul3A_890 : vector<16xf32>
        %eq3A_892 = arith.constant 8 : i32
        %eq3A_893 = vector.broadcast %eq3A_892 : i32 to vector<16xi32>
        %eq3A_894 = arith.cmpi eq, %iota3A, %eq3A_893 : vector<16xi32>
        %reduce_sum3A_895 = arith.constant true
        %reduce_sum3A_896 = vector.broadcast %reduce_sum3A_895 : i1 to vector<16xi1>
        %reduce_sum3A_897 = tpu.scan <sum>, %add3A_891 masked %reduce_sum3A_896 : vector<16xf32>, vector<16xi1> -> vector<16xf32>
        %reduce_sum3A_898 = vector.extract %reduce_sum3A_897[15] : f32 from vector<16xf32>
        %broadcast_in_dim3A_899 = vector.broadcast %reduce_sum3A_898 : f32 to vector<16xf32>
        %select_n3A_900 = arith.select %eq3A_894, %broadcast_in_dim3A_899, %select_n3A_868 : vector<16xi1>, vector<16xf32>
        %swap3A_901 = arith.index_cast %scan3A_87 : i32 to index
        %swap3A_902 = arith.constant 16 : index
        %swap3A_903 = tpu.vector_load %arg14[%swap3A_901, %swap3A_902] {strides = array<i32>} : memref<16x32xf32, #tpu.memory_space<vmem>>, vector<16xf32>,
        tpu.vector_store %arg14[%swap3A_901, %swap3A_902], %select_n3A_900 {strides = array<i32>} : memref<16x32xf32, #tpu.memory_space<vmem>>, vector<16xf32>,
      }
      %scan3A_81 = arith.constant 16 : i32
      %mul3A_82 = arith.constant 512 : i32
      %mul3A_83 = arith.muli %add3A, %mul3A_82 : i32
      %mul3A_84 = arith.constant 16 : i32
      %mul3A_85 = arith.muli %scan3A_5, %mul3A_84 : i32
      %add3A_86 = arith.addi %mul3A_83, %mul3A_85 : i32
      "tpu.region"() ({
        %run_scoped3A = tpu.sem_alloc : memref<!tpu.dma_semaphore, #tpu.memory_space<semaphore_mem>>
        %dma_start3A_87 = arith.constant 0 : i32
        %dma_start3A_88 = tpu.memref_slice %arg6[%add3A_86, %dma_start3A_87] : memref<16384x32xf32, #tpu.memory_space<hbm>> -> memref<16x32xf32, #tpu.memory_space<hbm>>
        %dma_start3A_89 = arith.constant 0 : i32
        %dma_start3A_90 = tpu.memref_slice %arg6[%add3A_86, %dma_start3A_89] : memref<16384x32xf32, #tpu.memory_space<hbm>> -> memref<16x32xf32, #tpu.memory_space<hbm>>
        tpu.enqueue_dma source(%arg14 : memref<16x32xf32, #tpu.memory_space<vmem>>) target(%dma_start3A_90 : memref<16x32xf32, #tpu.memory_space<hbm>>) target_semaphore(%run_scoped3A : memref<!tpu.dma_semaphore, #tpu.memory_space<semaphore_mem>>)
        %dma_wait3A_91 = arith.constant 0 : i32
        %dma_wait3A_92 = tpu.memref_slice %arg6[%add3A_86, %dma_wait3A_91] : memref<16384x32xf32, #tpu.memory_space<hbm>> -> memref<16x32xf32, #tpu.memory_space<hbm>>
        %dma_wait3A_93 = arith.constant 0 : i32
        %dma_wait3A_94 = tpu.memref_slice %arg6[%add3A_86, %dma_wait3A_93] : memref<16384x32xf32, #tpu.memory_space<hbm>> -> memref<16x32xf32, #tpu.memory_space<hbm>>
        tpu.wait_dma2 semaphore(%run_scoped3A : memref<!tpu.dma_semaphore, #tpu.memory_space<semaphore_mem>>) src(%arg14 : memref<16x32xf32, #tpu.memory_space<vmem>>) dst(%dma_wait3A_94 : memref<16x32xf32, #tpu.memory_space<hbm>>)
        tpu.yield
      }) : () -> ()
    }
    %scan3A_4 = arith.constant 32 : i32
    return
  }
}

</mosaic_0001>

<sc_bundles>
// kernel: kernel.3.cloned.1.call-start
scs
__scs_entry_jumppad:
0x0: {  	(pc) =	sbr.rel $0x88, $3  }
0x1: {  	(tag) =	ssettag $0x0;
	lr =	simm.s32 $0x1  }
0x2: {  	[smem:$0x3F9E] =	sst lr;
	_ =	strace $0xD0000000  }
0x3: {  	_ = 	snop  }
0x4: {  	_ = 	snop  }
0x5: {  	_ = 	snop  }
0x6: {  	_ = 	snop  }
0x7: {  	_ = 	snop  }
__scs_overlays_trampoline_lowered:
0x8: {  	[smem:$0x3FAD] =	sst s0  }
0x9: {  	[smem:$0x3FAE] =	sst s1  }
0xa: {  	[smem:$0x3FAF] =	sst s2  }
0xb: {  	[smem:$0x3FB0] =	sst s3  }
0xc: {  	[smem:$0x3FB1] =	sst s4  }
0xd: {  	[smem:$0x3FB2] =	sst s5  }
0xe: {  	[smem:$0x3FB3] =	sst s6  }
0xf: {  	[smem:$0x3FB4] =	sst s7  }
0x10: {  	[smem:$0x3FB5] =	sst s8  }
0x11: {  	[smem:$0x3FB6] =	sst s9;
	s0 =	simm.s32 @!p0 $0x0  }
0x12: {  	s1 =	sld [smem:$0x3F9C];
	s0 =	simm.s32 @p0 $0x1  }
0x13: {  	[smem:$0x3FB7] =	sst s0;
	s0 =	simm.s32 @!p1 $0x0  }
0x14: {  	s2 =	sld [smem:$0x3F9B];
	s0 =	simm.s32 @p1 $0x1  }
0x15: {  	[smem:$0x3FB8] =	sst s0;
	s0 =	simm.s32 @!p2 $0x0  }
0x16: {  	s3 =	sld [smem:$0x3FDB];
	s0 =	simm.s32 @p2 $0x1  }
0x17: {  	s4 =	simm.s32 $0x1BF5;
	[smem:$0x3FBA] =	sst s0  }
0x18: {  	s0 =	sld [smem:$0x3F9D];
	_ =	swait.ge [sflag:s4], $0x0  }
0x19: {  	s7 =	sld [smem:$0x3F9E]  }
0x1a: {  	s8 =	sadd.s32 $0xFFFFE003, lr  }
0x1b: {  	s9 =	sadd.s32 $0xFFFFFEF7, lr;
	s5 =	simm.s32 $0xFFFFFFFF;
	p2 =	slt.u32 s8, $0xFFFFF086  }
0x1c: {  	p1 =	slt.u32 s9, $0xF7A;
	s5 =	simm.s32 @!p2 $0x0  }
0x1d: {  	s5 =	simm.s32 @p1 $0x1;
	p0 =	seq.s32 s7, s2  }
0x1e: {  	s7 =	smul.u32 @!p0 $0xF7A, s2;
	p2 =	seq.s32 @!p0 s5, $0x0  }
0x1f: {  	s9 =	smul.u32 $0xF7A, s1;
	s8 =	simm.s32 @!p0 $0x1BF5;
	p2 =	por !p2, p0  }
0x20: {  	[sflag:s8] =	ssyncset.s32 @!p0 $0xFFFFF086;
	s6 =	sadd.s32 @!p0 s3, s7;
	s7 =	simm.s32 @!p0 $0x108  }
0x21: {  	s3 =	sadd.s32 s3, s9;
	s6 =	sadd.s32 @!p0 $0x88, s6;
	s7 =	simm.s32 @p2 $0x1082  }
0x22: {  	[simem:s7], [sflag:s8] =	dma.local @!p0 [hbm:s6], $0xF7A  }
0x23: {  	s9 =	sor.u32 $0xD0000000, s2;
	s6 =	simm.s32 $0x108;
	_ =	swait.ge @!p0 [sflag:s8], $0x0  }
0x24: {  	s3 =	sadd.s32 $0x88, s3;
	s6 =	simm.s32 @!p1 $0x1082;
	[sflag:s4] =	ssyncset.s32 $0xFFFFF086  }
0x25: {  	[simem:s6], [sflag:s4] =	dma.local [hbm:s3], $0xF7A  }
0x26: {  	[smem:$0x3F9E] =	sst s1;
	(tag) =	ssettag s2;
	_ =	strace s9  }
0x27: {  	s1 =	sld [smem:$0x3FAE]  }
0x28: {  	s2 =	sld [smem:$0x3FAF]  }
0x29: {  	s4 =	sld [smem:$0x3FB1]  }
0x2a: {  	p0 =	seq.s32 s5, $0x0;
	s5 =	sld [smem:$0x3FB2]  }
0x2b: {  	s6 =	sld [smem:$0x3FB3]  }
0x2c: {  	s7 =	sld [smem:$0x3FB4]  }
0x2d: {  	s3 =	simm.s32 $0x108;
	s8 =	sld [smem:$0x3FB5]  }
0x2e: {  	s3 =	simm.s32 @!p0 $0x1082;
	s9 =	sld [smem:$0x3FB6]  }
0x2f: {  	lr =	sadd.s32 s0, s3;
	s0 =	sld [smem:$0x3FAD]  }
0x30: {  	s3 =	sld [smem:$0x3FB0]  }
0x31: {  	[smem:$0x3FB9] =	sst s10  }
0x32: {  	s10 =	sld [smem:$0x3FB7];
	_ =	sdelay $0x3  }
0x33: {  	p0 =	seq.s32 s10, $0x1;
	s10 =	sld [smem:$0x3FB9];
	_ =	sdelay $0x3  }
0x34: {  	[smem:$0x3FB9] =	sst s10  }
0x35: {  	s10 =	sld [smem:$0x3FB8];
	_ =	sdelay $0x3  }
0x36: {  	p1 =	seq.s32 s10, $0x1;
	s10 =	sld [smem:$0x3FB9];
	_ =	sdelay $0x3  }
0x37: {  	[smem:$0x3FB9] =	sst s10  }
0x38: {  	s10 =	sld [smem:$0x3FBA]  }
0x39: {  	_ = 	snop;
	(pc) =	sbr.ind lr, $3  }
0x3a: {  	_ = 	snop  }
0x3b: {  	_ = 	snop  }
0x3c: {  	p2 =	seq.s32 s10, $0x1;
	s10 =	sld [smem:$0x3FB9]  }
0x3d: {  	_ =	shalt  }
0x3e: {  	_ =	shalt  }
0x3f: {  	_ =	shalt  }
0x40: {  	_ =	shalt  }
0x41: {  	_ =	shalt  }
0x42: {  	_ =	shalt  }
0x43: {  	_ =	shalt  }
0x44: {  	_ =	shalt  }
0x45: {  	_ =	shalt  }
0x46: {  	_ =	shalt  }
0x47: {  	_ =	shalt  }
0x48: {  	_ =	shalt  }
0x49: {  	_ =	shalt  }
0x4a: {  	_ =	shalt  }
0x4b: {  	_ =	shalt  }
0x4c: {  	_ =	shalt  }
0x4d: {  	_ =	shalt  }
0x4e: {  	_ =	shalt  }
0x4f: {  	_ =	shalt  }
0x50: {  	_ =	shalt  }
0x51: {  	_ =	shalt  }
0x52: {  	_ =	shalt  }
0x53: {  	_ =	shalt  }
0x54: {  	_ =	shalt  }
0x55: {  	_ =	shalt  }
0x56: {  	_ =	shalt  }
0x57: {  	_ =	shalt  }
0x58: {  	_ =	shalt  }
0x59: {  	_ =	shalt  }
0x5a: {  	_ =	shalt  }
0x5b: {  	_ =	shalt  }
0x5c: {  	_ =	shalt  }
0x5d: {  	_ =	shalt  }
0x5e: {  	_ =	shalt  }
0x5f: {  	_ =	shalt  }
0x60: {  	_ =	shalt  }
0x61: {  	_ =	shalt  }
0x62: {  	_ =	shalt  }
0x63: {  	_ =	shalt  }
0x64: {  	_ =	shalt  }
0x65: {  	_ =	shalt  }
0x66: {  	_ =	shalt  }
0x67: {  	_ =	shalt  }
0x68: {  	_ =	shalt  }
0x69: {  	_ =	shalt  }
0x6a: {  	_ =	shalt  }
0x6b: {  	_ =	shalt  }
0x6c: {  	_ =	shalt  }
0x6d: {  	_ =	shalt  }
0x6e: {  	_ =	shalt  }
0x6f: {  	_ =	shalt  }
0x70: {  	_ =	shalt  }
0x71: {  	_ =	shalt  }
0x72: {  	_ =	shalt  }
0x73: {  	_ =	shalt  }
0x74: {  	_ =	shalt  }
0x75: {  	_ =	shalt  }
0x76: {  	_ =	shalt  }
0x77: {  	_ =	shalt  }
0x78: {  	_ =	shalt  }
0x79: {  	_ =	shalt  }
0x7a: {  	_ =	shalt  }
0x7b: {  	_ =	shalt  }
0x7c: {  	_ =	shalt  }
0x7d: {  	_ =	shalt  }
0x7e: {  	_ =	shalt  }
0x7f: {  	_ =	shalt  }
0x80: {  	_ =	shalt  }
0x81: {  	_ =	shalt  }
0x82: {  	_ =	shalt  }
0x83: {  	_ =	shalt  }
0x84: {  	_ =	shalt  }
0x85: {  	_ =	shalt  }
0x86: {  	_ =	shalt  }
0x87: {  	_ =	shalt  }
.Lfunc_end0:
.L_simem_size_0:
called_computation_lowered:
.L_overlay_start_0:
0x88: {  	s2 =	sld [smem:$0x3FD9]  }
0x89: {  	s3 =	sld [smem:$0x3FFE];
	_ =	sdelay $0x1  }
0x8a: {  	s1 =	srdreg.scid  }
0x8b: {  	s0 =	sand.u32 $0x1, s1  }
0x8c: {  	s17 =	sshll.u32 s0, $0xA;
	s2 =	sadd.s32 s3, s2  }
0x8d: {  	s2 =	sadd.s32 s2, s17  }
0x8e: {  	[smem:$0x3FC5] =	sst s2  }
0x8f: {  	_ = 	snop  }
0x90: {  	s2 =	sld [smem:$0x3FD0];
	(tm) =	ssettm $0x1  }
0x91: {  	s18 =	sld [smem:$0x3FFB];
	_ =	sdelay $0x3  }
0x92: {  	_ =	strace s18  }
0x93: {  	s3 =	sld [smem:$0x3FFC];
	_ =	sdelay $0x3  }
0x94: {  	_ =	strace s3  }
0x95: {  	s3 =	sld [smem:$0x3FFD];
	_ =	sdelay $0x3  }
0x96: {  	_ =	strace s3  }
0x97: {  	_ =	strace $0x8FFFFFFF  }
0x98: {  	s19 =	sld [smem:$0x3FDB];
	_ =	sdelay $0x1  }
0x99: {  	s4 =	simm.s32 $_scs_section_size  }
0x9a: {  	s5 =	simm.s32 $_size__tile_overlayer_lowered;
	s6 =	simm.s32 $_tile_overlayer_lowered  }
0x9b: {  	s22 =	simm.s32 $0x1BFF;
	s21 =	sshll.u32 s6, $0x1;
	s3 =	sadd.s32 s4, s19  }
0x9c: {  	s7 =	simm.s32 $0x0;
	s20 =	sshll.u32 s5, $0x1;
	s5 =	sadd.s32 s21, s3  }
0x9d: {  	[timem:s7], [sflag:s22] =	dma.local [hbm:s5], s20  }
0x9e: {  	_ =	swait.ge [sflag:s22], s20  }
0x9f: {  	s4 =	ssub.s32 $0x0, s20;
	[sflag:s22] =	ssyncset.done $0x0  }
0xa0: {  	[sflag:s22] =	ssyncadd.s32 s4;
	_ =	sdelay $0x1  }
0xa1: {  	s23 =	simm.s32 $0x1B8B  }
0xa2: {  	_ =	swait.ge [sflag:s23], $0x1  }
0xa3: {  	[sflag:s23] =	ssyncset.done $0x0  }
0xa4: {  	s25 =	simm.s32 $0x1B8E;
	s24 =	sld [smem:$0x3FFE];
	[sflag:s23] =	ssyncadd.s32 $0xFFFFFFFF  }
0xa5: {  	s26 =	simm.s32 $execute0_lowered;
	[smem:$0x3FD2] =	sst s25  }
0xa6: {  	s5 =	sshll.u32 s26, $0x1;
	_ =	strace $0x80000046;
	[dreg:$0x1] =	wrdreg $0xFFFFFFFF  }
0xa7: {  	s28 =	simm.s32 $_size_execute0_lowered;
	s3 =	sadd.s32 s3, s5;
	[dreg:$0x0] =	wrdreg $0x0  }
0xa8: {  	s5 =	sshll.u32 s28, $0x1;
	[dreg:$0x2] =	wrdreg s3  }
0xa9: {  	[dreg:$0x3] =	wrdreg s5  }
0xaa: {  	[dreg:$0x4] =	wrdreg $0xC0  }
0xab: {  	_ =	task [dreg:s7], $0x5FFFF  }
0xac: {  	[dreg:$0x1] =	wrdreg $0xFFFFFFFF  }
0xad: {  	[dreg:$0x0] =	wrdreg $0x60  }
0xae: {  	[dreg:$0x2] =	wrdreg s24  }
0xaf: {  	[dreg:$0x3] =	wrdreg s2  }
0xb0: {  	[dreg:$0x4] =	wrdreg $0x9  }
0xb1: {  	_ =	task.clear_ibuf [dreg:s7], $0x5FFFF;
	_ =	strace $0x90000046  }
0xb2: {  	s29 =	simm.s32 $0x9;
	_ =	strace $0x80000048  }
0xb3: {  	_ =	swait.ge [sflag:s29], $0x1  }
0xb4: {  	[sflag:s29] =	ssyncadd.s32 $0xFFFFFFFF  }
0xb5: {  	_ =	strace $0x90000048  }
0xb6: {  	_ =	sfence  }
0xb7: {  	s30 =	sld [smem:$0x0];
	_ =	sdelay $0x2  }
0xb8: {  	s31 =	sshll.u32 s1, $0xD;
	s1 =	sshrl.u32 s1, $0x2  }
0xb9: {  	s3 =	sand.u32 $0x4000, s31;
	s1 =	sadd.s32 s1, s30  }
0xba: {  	s0 =	sor.u32 s3, s0;
	s1 =	sshll.u32 s1, $0x11  }
0xbb: {  	s0 =	sor.u32 s1, s0  }
0xbc: {  	s0 =	sadd.s32 $0x8F2B, s0  }
0xbd: {  	[sflag:s0] =	ssyncadd.remote.s32 $0x1  }
0xbe: {  	_ =	sfence.sel $0xFFFF  }
0xbf: {  	[dreg:$0x0] =	wrdreg $0xFFFFFFFF;
	(pc) =	sbr.abs _section_cstart, $3  }
0xc0: {  	[dreg:$0x1] =	wrdreg $0xFFFFFFFF  }
0xc1: {  	_ =	task.clear_ibuf [dreg:s7], $0x2FFFF;
	_ =	strace $0x9FFFFFFF  }
0xc2: {  	(tm) =	ssettm $0x7FFFFFFF  }
0xc3: {  	_ =	shalt  }
tec
execute0_lowered:
.L_overlay_start_1:
0x0: {  	(tag) =	ssettag $0x1  }
0x1: {  	s6 =	rddreg [dreg:$0x0]  }
0x2: {  	s8 =	rddreg [dreg:$0x1]  }
0x3: {  	s0 =	rddreg [dreg:$0x2]  }
0x4: {  	s1 =	simm.s32 $0x0;
	s5 =	srdreg.scid;
	s2 =	stileid.u32  }
0x5: {  	s12 =	simm.s32 $0x78;
	s13 =	simm.s32 $0xE0;
	s14 =	simm.s32 $0x148  }
0x6: {  	s15 =	simm.s32 $0x1B0;
	s16 =	simm.s32 $0x64;
	s17 =	simm.s32 $0x5B0  }
0x7: {  	s18 =	simm.s32 $0x1EB0;
	s19 =	simm.s32 $0x37B0;
	s20 =	simm.s32 $0x50B0  }
0x8: {  	s21 =	simm.s32 $0x1;
	s22 =	simm.s32 $0x69B0;
	s23 =	simm.s32 $0x0  }
0x9: {  	[smem:$0x7FF] =	sst s1;
	s3 =	sadd.s32 $0x800, s6;
	s4 =	sadd.s32 $0x1000, s6  }
0xa: {  	vm0 =	vmmov $0x1;
	vm1 =	vmmov $0x3;
	vm2 =	vmmov $0x7;
	s7 =	sand.u32 $0x1, s5;
	s9 =	sshll.u32 s2, $0x1;
	s5 =	sadd.s32 $0x16F1600, s6  }
0xb: {  	vm3 =	vmmov $0xf;
	vm4 =	vmmov $0x1f;
	vm5 =	vmmov $0x3f;
	s6 =	sadd.s32 $0xF50400, s6;
	s10 =	ssub.s32 $0x2, s7;
	s7 =	sor.u32 s7, s9  }
0xc: {  	vm6 =	vmmov $0x7f;
	vm7 =	vmmov $0xff;
	vm8 =	vmmov $0x1ff;
	_ =	strace $0x80000047;
	s31 =	sshrl.u32 s10, $0x1;
	s11 =	sshll.u32 s7, $0xB  }
0xd: {  	vm9 =	vmmov $0x3ff;
	vm10 =	vmmov $0x7ff;
	vm11 =	vmmov $0xfff;
	s7 =	sshll.u32 s7, $0x5;
	s9 =	ssub.s32 s10, s31;
	s8 =	sadd.s32 s8, s11  }
0xe: {  	vm12 =	vmmov $0x1fff;
	vm13 =	vmmov $0x3fff;
	vm14 =	vmmov $0x7fff;
	s10 =	simm.s32 $0x2;
	s11 =	simm.s32 $0x10;
	s9 =	smax.u32 s9, $0x1  }
.LBB2_1:
0xf: {  	s24 =	simm.s32 $0x0  }
.LBB2_2:
0x10: {  	s26 =	sadd.s32 s7, s24  }
0x11: {  	s25 =	sshll.u32 s26, $0x1  }
0x12: {  	s28 =	sadd.s32 s3, s25;
	s25 =	simm.s32 $0x0  }
0x13: {  	[tilespmem:s25], [sflag:$0x2] =	stream.linear.gather [hbm4b:s28+s25], $0x10, $0x38;
	[tilespmem:$0x6BB0] =	vst v63  }
0x14: {  	s28 =	smul.u32 $0x34, s26;
	_ =	swait.ge [sflag:s10], $0x10  }
0x15: {  	[sflag:s10] =	ssyncset.done $0x0  }
0x16: {  	s26 =	smul.u32 $0x1A0, s26;
	s28 =	sadd.s32 s4, s28;
	[sflag:s10] =	ssyncadd.s32 $0xFFFFFFF0  }
0x17: {  	[tilespmem:s11], [sflag:$0x2] =	stream.linear.gather [hbm4b:s28+s25], $0x68, $0x38;
	[tilespmem:$0x6BB0] =	vst v63  }
0x18: {  	s28 =	sadd.s32 $0x68, s26;
	_ =	swait.ge [sflag:s10], $0x68  }
0x19: {  	s28 =	sshrl.u32 s28, $0x3;
	[sflag:s10] =	ssyncset.done $0x0  }
0x1a: {  	s28 =	sadd.s32 s4, s28;
	[sflag:s10] =	ssyncadd.s32 $0xFFFFFF98  }
0x1b: {  	[tilespmem:s12], [sflag:$0x2] =	stream.linear.gather [hbm4b:s28+s25], $0x68, $0x38;
	[tilespmem:$0x6BB0] =	vst v63  }
0x1c: {  	s28 =	sshrl.u32 s26, $0x3;
	_ =	swait.ge [sflag:s10], $0x68  }
0x1d: {  	s28 =	sadd.s32 s4, s28;
	[sflag:s10] =	ssyncset.done $0x0  }
0x1e: {  	s28 =	sadd.s32 $0x1A, s28;
	[sflag:s10] =	ssyncadd.s32 $0xFFFFFF98  }
0x1f: {  	[tilespmem:s13], [sflag:$0x2] =	stream.linear.gather [hbm4b:s28+s25], $0x68, $0x38;
	[tilespmem:$0x6BB0] =	vst v63  }
0x20: {  	s26 =	sadd.s32 $0x138, s26;
	_ =	swait.ge [sflag:s10], $0x68  }
0x21: {  	s26 =	sshrl.u32 s26, $0x3;
	[sflag:s10] =	ssyncset.done $0x0  }
0x22: {  	s26 =	sadd.s32 s4, s26;
	[sflag:s10] =	ssyncadd.s32 $0xFFFFFF98  }
0x23: {  	[tilespmem:s14], [sflag:$0x2] =	stream.linear.gather [hbm4b:s26+s25], $0x68, $0x38;
	[tilespmem:$0x6BB0] =	vst v63  }
0x24: {  	_ =	swait.ge [sflag:s10], $0x68  }
0x25: {  	[sflag:s10] =	ssyncset.done $0x0  }
0x26: {  	[sflag:s10] =	ssyncadd.s32 $0xFFFFFF98  }
0x27: {  	[tilespmem:s15], [sflag:$0x1] =	stream.indirect.gather [hbm4b:s5+s11], $0x40, s25, s11, $0xb8;
	[tilespmem:$0x6BB0] =	vst v63  }
0x28: {  	_ = 	snop  }
0x29: {  	[tilespmem:s17], [sflag:$0x1] =	stream.indirect.gather [hbm4b:s6+s16], $0x40, s11, s16, $0xb8;
	[tilespmem:$0x6BB0] =	vst v63  }
0x2a: {  	_ = 	snop  }
0x2b: {  	[tilespmem:s18], [sflag:$0x1] =	stream.indirect.gather [hbm4b:s6+s16], $0x40, s12, s16, $0xb8;
	[tilespmem:$0x6BB0] =	vst v63  }
0x2c: {  	_ = 	snop  }
0x2d: {  	[tilespmem:s19], [sflag:$0x1] =	stream.indirect.gather [hbm4b:s6+s16], $0x40, s13, s16, $0xb8;
	[tilespmem:$0x6BB0] =	vst v63  }
0x2e: {  	_ = 	snop  }
0x2f: {  	[tilespmem:s20], [sflag:$0x1] =	stream.indirect.gather [hbm4b:s6+s16], $0x40, s14, s16, $0xb8;
	[tilespmem:$0x6BB0] =	vst v63  }
0x30: {  	_ =	swait.ge [sflag:s21], $0x400  }
0x31: {  	[sflag:s21] =	ssyncset.done $0x0  }
0x32: {  	[sflag:s21] =	ssyncadd.s32 $0xFFFFFC00  }
0x33: {  	_ =	swait.ge [sflag:s21], $0x1900  }
0x34: {  	[sflag:s21] =	ssyncset.done $0x0  }
0x35: {  	[sflag:s21] =	ssyncadd.s32 $0xFFFFE700  }
0x36: {  	_ =	swait.ge [sflag:s21], $0x1900  }
0x37: {  	[sflag:s21] =	ssyncset.done $0x0  }
0x38: {  	[sflag:s21] =	ssyncadd.s32 $0xFFFFE700  }
0x39: {  	_ =	swait.ge [sflag:s21], $0x1900  }
0x3a: {  	[sflag:s21] =	ssyncset.done $0x0  }
0x3b: {  	[sflag:s21] =	ssyncadd.s32 $0xFFFFE700  }
0x3c: {  	_ =	swait.ge [sflag:s21], $0x1900  }
0x3d: {  	[sflag:s21] =	ssyncset.done $0x0  }
0x3e: {  	s28 =	simm.s32 $0x1D0;
	s26 =	simm.s32 $0x8D0;
	[sflag:s21] =	ssyncadd.s32 $0xFFFFE700  }
.LBB2_3:
0x3f: {  	v2 =	vld [tilespmem:s28+$0xFFFFFFE0]  }
0x40: {  	v3 =	vld [tilespmem:s28+$0xFFFFFFF0]  }
0x41: {  	v1 =	vld [tilespmem:s28+$0x0]  }
0x42: {  	v0 =	vld [tilespmem:s28+$0x10]  }
0x43: {  	v4 =	vld [tilespmem:s26+$0xFFFFFCE0]  }
0x44: {  	v5 =	vld [tilespmem:s26+$0xFFFFFCF0]  }
0x45: {  	v6 =	vld [tilespmem:s26+$0xFFFFFD00]  }
0x46: {  	v7 =	vld [tilespmem:s26+$0xFFFFFD10]  }
0x47: {  	v8 =	vld [tilespmem:s26+$0xFFFFFD20]  }
0x48: {  	v9 =	vld [tilespmem:s26+$0xFFFFFD30]  }
0x49: {  	v10 =	vld [tilespmem:s26+$0xFFFFFD40]  }
0x4a: {  	v11 =	vld [tilespmem:s26+$0xFFFFFD50]  }
0x4b: {  	v12 =	vld [tilespmem:s26+$0xFFFFFD60]  }
0x4c: {  	v13 =	vld [tilespmem:s26+$0xFFFFFD70]  }
0x4d: {  	v14 =	vld [tilespmem:s26+$0xFFFFFD80]  }
0x4e: {  	v15 =	vld [tilespmem:s26+$0xFFFFFD90]  }
0x4f: {  	v16 =	vld [tilespmem:s26+$0xFFFFFDA0]  }
0x50: {  	v17 =	vld [tilespmem:s26+$0xFFFFFDB0]  }
0x51: {  	v18 =	vld [tilespmem:s26+$0xFFFFFDC0]  }
0x52: {  	v19 =	vld [tilespmem:s26+$0xFFFFFDD0]  }
0x53: {  	v20 =	vld [tilespmem:s26+$0xFFFFFDE0]  }
0x54: {  	v21 =	vld [tilespmem:s26+$0xFFFFFDF0]  }
0x55: {  	v22 =	vld [tilespmem:s26+$0xFFFFFE00]  }
0x56: {  	v23 =	vld [tilespmem:s26+$0xFFFFFE10]  }
0x57: {  	v24 =	vld [tilespmem:s26+$0xFFFFFE20]  }
0x58: {  	v25 =	vld [tilespmem:s26+$0xFFFFFE30]  }
0x59: {  	v26 =	vld [tilespmem:s26+$0xFFFFFE40]  }
0x5a: {  	v27 =	vld [tilespmem:s26+$0xFFFFFE50]  }
0x5b: {  	v28 =	vld [tilespmem:s26+$0xFFFFFE60]  }
0x5c: {  	v29 =	vld [tilespmem:s26+$0xFFFFFE70]  }
0x5d: {  	v30 =	vld [tilespmem:s26+$0xFFFFFE80]  }
0x5e: {  	v31 =	vld [tilespmem:s26+$0xFFFFFE90];
	v4 =	vmul.f32 v4, v2;
	v5 =	vmul.f32 v5, v3  }
0x5f: {  	v32 =	vld [tilespmem:s26+$0xFFFFFEA0];
	v63 =	vmul.f32 v6, v1;
	v8 =	vmul.f32 v8, v2  }
0x60: {  	v33 =	vld [tilespmem:s26+$0xFFFFFEB0];
	v9 =	vmul.f32 v9, v3;
	v37 =	vmul.f32 v12, v2  }
0x61: {  	v34 =	vld [tilespmem:s26+$0xFFFFFEC0];
	v38 =	vmul.f32 v13, v3;
	v7 =	vmul.f32 v7, v0  }
0x62: {  	v35 =	vld [tilespmem:s26+$0xFFFFFED0];
	v39 =	vmul.f32 v10, v1;
	v11 =	vmul.f32 v11, v0  }
0x63: {  	v36 =	vld [tilespmem:s26+$0xFFFFFEF0];
	v40 =	vmul.f32 v14, v1;
	v41 =	vmul.f32 v16, v2  }
0x64: {  	v47 =	vld [tilespmem:s26+$0xFFFFFF60];
	v42 =	vmul.f32 v17, v3;
	v43 =	vmul.f32 v15, v0  }
0x65: {  	v50 =	vld [tilespmem:s26+$0xFFFFFF70];
	v44 =	vmul.f32 v18, v1;
	v45 =	vmul.f32 v20, v2  }
0x66: {  	v52 =	vld [tilespmem:s26+$0xFFFFFF80];
	v46 =	vmul.f32 v21, v3;
	v48 =	vmul.f32 v24, v2  }
0x67: {  	v56 =	vld [tilespmem:s26+$0xFFFFFFA0];
	v49 =	vmul.f32 v25, v3;
	v19 =	vmul.f32 v19, v0  }
0x68: {  	v58 =	vld [tilespmem:s26+$0xFFFFFFB0];
	v51 =	vmul.f32 v22, v1;
	v23 =	vmul.f32 v23, v0  }
0x69: {  	v60 =	vld [tilespmem:s26+$0xFFFFFFC0];
	v53 =	vmul.f32 v26, v1;
	v54 =	vmul.f32 v28, v2  }
0x6a: {  	v6 =	vld [tilespmem:s26+$0xFFFFFEE0];
	v55 =	vmul.f32 v29, v3;
	v57 =	vmul.f32 v27, v0  }
0x6b: {  	v13 =	vld [tilespmem:s26+$0xFFFFFF00];
	v59 =	vmul.f32 v30, v1;
	v61 =	vmul.f32 v32, v2  }
0x6c: {  	v10 =	vld [tilespmem:s26+$0xFFFFFF10];
	v62 =	vmul.f32 v33, v3;
	v36 =	vmul.f32 v36, v3  }
0x6d: {  	v14 =	vld [tilespmem:s26+$0xFFFFFF20];
	v20 =	vmul.f32 v58, v3;
	v4 =	vadd.f32 v5, v4;
	v8 =	vadd.f32 v9, v8  }
0x6e: {  	v17 =	vld [tilespmem:s26+$0xFFFFFF30];
	v52 =	vmul.f32 v52, v1;
	v5 =	vadd.f32 v38, v37;
	v9 =	vadd.f32 v42, v41  }
0x6f: {  	v12 =	vld [tilespmem:s26+$0xFFFFFF40];
	v16 =	vadd.f32 v55, v54;
	v38 =	vmul.f32 v31, v0;
	v41 =	vmul.f32 v35, v0  }
0x70: {  	v15 =	vld [tilespmem:s26+$0xFFFFFF50];
	v55 =	vmul.f32 v60, v1;
	v4 =	vadd.f32 v63, v4;
	v8 =	vadd.f32 v39, v8  }
0x71: {  	v24 =	vld [tilespmem:s26+$0xFFFFFF90];
	v5 =	vadd.f32 v40, v5;
	v9 =	vadd.f32 v44, v9;
	v39 =	vmul.f32 v34, v1  }
0x72: {  	v28 =	vld [tilespmem:s26+$0xB0];
	v16 =	vadd.f32 v59, v16;
	v6 =	vmul.f32 v6, v2;
	v13 =	vmul.f32 v13, v1  }
0x73: {  	v37 =	vld [tilespmem:s26+$0xFFFFFFE0];
	v14 =	vmul.f32 v14, v2;
	v17 =	vmul.f32 v17, v3;
	v4 =	vadd.f32 v7, v4  }
0x74: {  	v42 =	vld [tilespmem:s26+$0x0];
	v10 =	vmul.f32 v10, v0;
	v8 =	vadd.f32 v11, v8;
	v5 =	vadd.f32 v43, v5  }
0x75: {  	v60 =	vld [tilespmem:s26+$0x80];
	v12 =	vmul.f32 v12, v1;
	v7 =	vadd.f32 v46, v45;
	v11 =	vadd.f32 v49, v48  }
0x76: {  	v63 =	vld [tilespmem:s26+$0xFFFFFFD0];
	v54 =	vmul.f32 v24, v0;
	v9 =	vadd.f32 v19, v9;
	v19 =	vadd.f32 v62, v61  }
0x77: {  	v40 =	vld [tilespmem:s26+$0xFFFFFFF0];
	v16 =	vadd.f32 v38, v16;
	v46 =	vmul.f32 v47, v2;
	v47 =	vmul.f32 v50, v3  }
0x78: {  	v44 =	vld [tilespmem:s26+$0x20];
	v49 =	vmul.f32 v56, v2;
	v6 =	vadd.f32 v36, v6;
	v14 =	vadd.f32 v17, v14  }
0x79: {  	v43 =	vld [tilespmem:s26+$0x10];
	v58 =	vmul.f32 v37, v2;
	v25 =	vmul.f32 v42, v1;
	v7 =	vadd.f32 v51, v7  }
0x7a: {  	v45 =	vld [tilespmem:s26+$0x30];
	v38 =	vmul.f32 v60, v1;
	v11 =	vadd.f32 v53, v11;
	v19 =	vadd.f32 v39, v19  }
0x7b: {  	v56 =	vld [tilespmem:s26+$0x70];
	(xrf2) =	vadd.scan.msk.f32 $0xffff, v4;
	v51 =	vmul.f32 v15, v0;
	v6 =	vadd.f32 v13, v6;
	v12 =	vadd.f32 v12, v14  }
0x7c: {  	v53 =	vld [tilespmem:s26+$0x60];
	(xrf2) =	vadd.scan.msk.f32 $0xffff, v8;
	v14 =	vadd.f32 v20, v49;
	v59 =	vmul.f32 v40, v3;
	v7 =	vadd.f32 v23, v7  }
0x7d: {  	v48 =	vld [tilespmem:s26+$0x40];
	v62 =	vmul.f32 v63, v0;
	v11 =	vadd.f32 v57, v11;
	v19 =	vadd.f32 v41, v19;
	(xrf2) =	vadd.scan.msk.f32 $0xffff, v5  }
0x7e: {  	v50 =	vld [tilespmem:s26+$0x50];
	v29 =	vmul.f32 v44, v2;
	v6 =	vadd.f32 v10, v6;
	v10 =	vadd.f32 v47, v46;
	(xrf2) =	vadd.scan.msk.f32 $0xffff, v9  }
0x7f: {  	v63 =	vld [tilespmem:s26+$0xA0];
	v4 =	vadd.f32 v51, v12;
	v61 =	vadd.f32 v55, v14;
	v30 =	vmul.f32 v45, v3;
	(xrf2) =	vadd.scan.msk.f32 $0xffff, v7  }
0x80: {  	v31 =	vld [tilespmem:s26+$0x90];
	v20 =	vadd.f32 v59, v58;
	v33 =	vmul.f32 v56, v3;
	v35 =	vmul.f32 v43, v0;
	(xrf2) =	vadd.scan.msk.f32 $0xffff, v11  }
0x81: {  	v34 =	vld [tilespmem:s26+$0xC0];
	v57 =	vadd.f32 v52, v10;
	v9 =	vadd.f32 v62, v61;
	v32 =	vmul.f32 v53, v2;
	(xrf2) =	vadd.scan.msk.f32 $0xffff, v16  }
0x82: {  	v36 =	vmul.f32 v48, v1;
	v7 =	vadd.f32 v25, v20;
	v11 =	vadd.f32 v30, v29;
	(xrf2) =	vadd.scan.msk.f32 $0xffff, v19  }
0x83: {  	v39 =	vld [tilespmem:s26+$0xD0];
	v37 =	vmul.f32 v50, v0;
	v5 =	vadd.f32 v54, v57;
	v8 =	vadd.f32 v33, v32;
	(xrf2) =	vadd.scan.msk.f32 $0xffff, v6  }
0x84: {  	v10 =	vmul.f32 v28, v3;
	v41 =	vmul.f32 v63, v2;
	v40 =	vadd.f32 v36, v11;
	(xrf2) =	vadd.scan.msk.f32 $0xffff, v4  }
0x85: {  	v45 =	vmul.f32 v31, v0;
	v43 =	vadd.f32 v35, v7;
	v44 =	vadd.f32 v38, v8;
	v42, _, _ =	vpop (xrf2);
	(xrf2) =	vadd.scan.msk.f32 $0xffff, v5  }
0x86: {  	v48 =	vmul.f32 v34, v1;
	v47 =	vadd.f32 v10, v41;
	v4 =	vadd.f32 v37, v40;
	v46, _, _ =	vpop (xrf2);
	(xrf2) =	vadd.scan.msk.f32 $0xffff, v9  }
0x87: {  	v49 =	vbroadcast v42, $0xF;
	v52 =	vadd.f32 v45, v44;
	v50 =	vbroadcast v46, $0xF;
	v51, _, _ =	vpop (xrf2);
	(xrf2) =	vadd.scan.msk.f32 $0xffff, v43  }
0x88: {  	v56 =	vmul.f32 v39, v0;
	v55 =	vadd.f32 v48, v47;
	v53 =	vbroadcast v51, $0xF;
	v54, _, _ =	vpop (xrf2);
	(xrf2) =	vadd.scan.msk.f32 $0xffff, v4  }
0x89: {  	v57 =	vsel vm0, v49, v50;
	v8 =	vbroadcast v54, $0xF;
	v58, _, _ =	vpop (xrf2);
	(xrf2) =	vadd.scan.msk.f32 $0xffff, v52  }
0x8a: {  	v4 =	vadd.f32 v56, v55;
	v59, _, _ =	vpop (xrf2);
	v7 =	vsel vm1, v57, v53;
	v60 =	vbroadcast v58, $0xF  }
0x8b: {  	v61 =	vsel vm2, v7, v8;
	v5 =	vbroadcast v59, $0xF;
	v62, _, _ =	vpop (xrf2)  }
0x8c: {  	v6 =	vsel vm3, v61, v60;
	v7 =	vbroadcast v62, $0xF;
	v63, _, _ =	vpop (xrf2);
	(xrf2) =	vadd.scan.msk.f32 $0xffff, v4  }
0x8d: {  	v10 =	vsel vm4, v6, v5;
	v11 =	vbroadcast v63, $0xF;
	v12, _, _ =	vpop (xrf2)  }
0x8e: {  	v4 =	vsel vm5, v10, v7;
	v6 =	vbroadcast v12, $0xF;
	v13, _, _ =	vpop (xrf2)  }
0x8f: {  	v4 =	vsel vm6, v4, v11;
	v14 =	vbroadcast v13, $0xF;
	v15, _, _ =	vpop (xrf2)  }
0x90: {  	v4 =	vsel vm7, v4, v6;
	v16 =	vbroadcast v15, $0xF;
	v17, _, _ =	vpop (xrf2)  }
0x91: {  	v4 =	vsel vm8, v4, v14;
	v18 =	vbroadcast v17, $0xF;
	v19, _, _ =	vpop (xrf2)  }
0x92: {  	v4 =	vsel vm9, v4, v16;
	v20 =	vbroadcast v19, $0xF;
	v21, _, _ =	vpop (xrf2)  }
0x93: {  	v4 =	vsel vm10, v4, v18;
	v22 =	vbroadcast v21, $0xF;
	v23, _, _ =	vpop (xrf2)  }
0x94: {  	v4 =	vsel vm11, v4, v20;
	v24 =	vbroadcast v23, $0xF  }
0x95: {  	v4 =	vsel vm12, v4, v22  }
0x96: {  	v4 =	vsel vm13, v4, v24;
	v25, _, _ =	vpop (xrf2)  }
0x97: {  	s29 =	sshra.s32 s25, $0x2;
	v4 =	vsel vm14, v4, v25  }
0x98: {  	[tilespmem:s29+$0x69B0] =	vst v4  }
0x99: {  	v4 =	vld [tilespmem:s26+$0xE0]  }
0x9a: {  	v26 =	vld [tilespmem:s26+$0xF0]  }
0x9b: {  	v27 =	vld [tilespmem:s26+$0x100]  }
0x9c: {  	v28 =	vld [tilespmem:s26+$0x110]  }
0x9d: {  	v29 =	vld [tilespmem:s26+$0x120]  }
0x9e: {  	v30 =	vld [tilespmem:s26+$0x130]  }
0x9f: {  	v31 =	vld [tilespmem:s26+$0x140]  }
0xa0: {  	v32 =	vld [tilespmem:s26+$0x150]  }
0xa1: {  	v33 =	vld [tilespmem:s26+$0x160]  }
0xa2: {  	v34 =	vld [tilespmem:s26+$0x170]  }
0xa3: {  	v35 =	vld [tilespmem:s26+$0x180]  }
0xa4: {  	v36 =	vld [tilespmem:s26+$0x190]  }
0xa5: {  	v37 =	vld [tilespmem:s26+$0x1A0]  }
0xa6: {  	v38 =	vld [tilespmem:s26+$0x1B0]  }
0xa7: {  	v39 =	vld [tilespmem:s26+$0x1C0]  }
0xa8: {  	v40 =	vld [tilespmem:s26+$0x1D0]  }
0xa9: {  	v41 =	vld [tilespmem:s26+$0x1E0]  }
0xaa: {  	v42 =	vld [tilespmem:s26+$0x1F0];
	v4 =	vmul.f32 v4, v2;
	v5 =	vmul.f32 v26, v3  }
0xab: {  	v43 =	vld [tilespmem:s26+$0x200];
	v6 =	vmul.f32 v27, v1;
	v46 =	vmul.f32 v29, v2  }
0xac: {  	v44 =	vld [tilespmem:s26+$0x210];
	v47 =	vmul.f32 v30, v3;
	v12 =	vmul.f32 v33, v2  }
0xad: {  	v45 =	vld [tilespmem:s26+$0x220];
	v13 =	vmul.f32 v34, v3;
	v50 =	vmul.f32 v31, v1  }
0xae: {  	v48 =	vld [tilespmem:s26+$0x230];
	v7 =	vmul.f32 v28, v0;
	v53 =	vmul.f32 v35, v1  }
0xaf: {  	v49 =	vld [tilespmem:s26+$0x240];
	v55 =	vmul.f32 v32, v0;
	v58 =	vmul.f32 v36, v0  }
0xb0: {  	v56 =	vld [tilespmem:s26+$0x270];
	v60 =	vmul.f32 v37, v2;
	v61 =	vmul.f32 v38, v3  }
0xb1: {  	v51 =	vld [tilespmem:s26+$0x250];
	v63 =	vmul.f32 v41, v2;
	v21 =	vmul.f32 v42, v3  }
0xb2: {  	v54 =	vld [tilespmem:s26+$0x260];
	v27 =	vmul.f32 v39, v1;
	v28 =	vmul.f32 v40, v0  }
0xb3: {  	v59 =	vld [tilespmem:s26+$0x280];
	v30 =	vmul.f32 v43, v1;
	v31 =	vmul.f32 v44, v0  }
0xb4: {  	v62 =	vld [tilespmem:s26+$0x290];
	v33 =	vmul.f32 v45, v2;
	v9 =	vmul.f32 v48, v3  }
0xb5: {  	v26 =	vld [tilespmem:s26+$0x2A0];
	v11 =	vmul.f32 v56, v3;
	v4 =	vadd.f32 v5, v4;
	v5 =	vadd.f32 v47, v46  }
0xb6: {  	v29 =	vld [tilespmem:s26+$0x2B0];
	v36 =	vmul.f32 v49, v1;
	v52 =	vadd.f32 v13, v12;
	v10 =	vadd.f32 v21, v63  }
0xb7: {  	v32 =	vld [tilespmem:s26+$0x2E0];
	v8 =	vmul.f32 v51, v0;
	v9 =	vadd.f32 v9, v33;
	v4 =	vadd.f32 v6, v4  }
0xb8: {  	v34 =	vld [tilespmem:s26+$0x2F0];
	v13 =	vmul.f32 v54, v2;
	v5 =	vadd.f32 v50, v5;
	v57 =	vadd.f32 v53, v52  }
0xb9: {  	v35 =	vld [tilespmem:s26+$0x2C0];
	v45 =	vmul.f32 v62, v0;
	v6 =	vadd.f32 v61, v60;
	v10 =	vadd.f32 v30, v10  }
0xba: {  	v37 =	vld [tilespmem:s26+$0x300];
	v12 =	vmul.f32 v59, v1;
	v11 =	vadd.f32 v11, v13;
	v9 =	vadd.f32 v36, v9  }
0xbb: {  	v38 =	vld [tilespmem:s26+$0x2D0];
	v39 =	vmul.f32 v26, v2;
	v40 =	vmul.f32 v29, v3;
	v4 =	vadd.f32 v7, v4  }
0xbc: {  	v41 =	vld [tilespmem:s26+$0x310];
	v2 =	vmul.f32 v32, v2;
	v5 =	vadd.f32 v55, v5;
	v6 =	vadd.f32 v27, v6  }
0xbd: {  	v3 =	vmul.f32 v34, v3;
	v7 =	vadd.f32 v58, v57;
	v10 =	vadd.f32 v31, v10;
	(xrf2) =	vadd.scan.msk.f32 $0xffff, v4  }
0xbe: {  	v44 =	vmul.f32 v35, v1;
	v43 =	vadd.f32 v40, v39;
	v6 =	vadd.f32 v28, v6;
	(xrf2) =	vadd.scan.msk.f32 $0xffff, v5  }
0xbf: {  	v1 =	vmul.f32 v37, v1;
	v42 =	vadd.f32 v12, v11;
	v2 =	vadd.f32 v3, v2;
	(xrf2) =	vadd.scan.msk.f32 $0xffff, v7  }
0xc0: {  	v47 =	vmul.f32 v38, v0;
	v46 =	vadd.f32 v8, v9;
	v5 =	vadd.f32 v44, v43;
	(xrf2) =	vadd.scan.msk.f32 $0xffff, v6  }
0xc1: {  	v0 =	vmul.f32 v41, v0;
	v3 =	vadd.f32 v45, v42;
	v1 =	vadd.f32 v1, v2;
	(xrf2) =	vadd.scan.msk.f32 $0xffff, v10  }
0xc2: {  	v48 =	vadd.f32 v47, v5;
	(xrf2) =	vadd.scan.msk.f32 $0xffff, v46  }
0xc3: {  	v0 =	vadd.f32 v0, v1;
	(xrf2) =	vadd.scan.msk.f32 $0xffff, v3  }
0xc4: {  	(xrf2) =	vadd.scan.msk.f32 $0xffff, v48  }
0xc5: {  	(xrf2) =	vadd.scan.msk.f32 $0xffff, v0;
	_ =	sdelay $0x1  }
0xc6: {  	v49, _, _ =	vpop (xrf2)  }
0xc7: {  	v50, _, _ =	vpop (xrf2);
	v0 =	vbroadcast v49, $0xF  }
0xc8: {  	v51, _, _ =	vpop (xrf2);
	v1 =	vbroadcast v50, $0xF  }
0xc9: {  	vm15 =	vcmask $0x324;
	v52, _, _ =	vpop (xrf2);
	v0 =	vnsel vm0, $0x0, v0;
	v2 =	vbroadcast v51, $0xF  }
0xca: {  	v53, _, _ =	vpop (xrf2);
	v0 =	vsel vm15, v0, v1;
	v54 =	vbroadcast v52, $0xF;
	vm15 =	vcmask $0x724  }
0xcb: {  	v55, _, _ =	vpop (xrf2);
	v0 =	vsel vm15, v0, v2;
	v56 =	vbroadcast v53, $0xF;
	vm15 =	vcmask $0xB24  }
0xcc: {  	v57, _, _ =	vpop (xrf2);
	v0 =	vsel vm15, v0, v54;
	v58 =	vbroadcast v55, $0xF;
	vm15 =	vcmask $0xF24  }
0xcd: {  	p0 =	sne.s32 s25, $0x780;
	v59, _, _ =	vpop (xrf2);
	v0 =	vsel vm15, v0, v56;
	v60 =	vbroadcast v57, $0xF;
	vm15 =	vcmask $0x1324  }
.Ltmp0:
0xce: {  	v0 =	vsel vm15, v0, v58;
	v61 =	vbroadcast v59, $0xF;
	v62, _, _ =	vpop (xrf2);
	vm15 =	vcmask $0x1724;
	(pc) =	sbr.rel @p0 .LBB2_3-.Ltmp0, $4  }
0xcf: {  	v0 =	vsel vm15, v0, v60;
	v63 =	vbroadcast v62, $0xF;
	vm15 =	vcmask $0x1B24  }
0xd0: {  	v0 =	vsel vm15, v0, v61;
	vm15 =	vcmask $0x1F24  }
0xd1: {  	v0 =	vsel vm15, v0, v63  }
0xd2: {  	s28 =	sadd.s32 $0x40, s28;
	s25 =	sadd.s32 $0x80, s25;
	s26 =	sadd.s32 $0x640, s26;
	[tilespmem:s29+$0x69C0] =	vst v0  }
0xd3: {  	s25 =	sshll.u32 s24, $0x6;
	s24 =	sadd.s32 $0x1, s24  }
0xd4: {  	p0 =	sne.s32 s24, $0x20  }
.Ltmp1:
0xd5: {  	s25 =	sadd.s32 s25, s8;
	(pc) =	sbr.rel @p0 .LBB2_2-.Ltmp1, $4  }
0xd6: {  	[hbm4b:s25+s1] =	stream.linear.scatter [tilespmem:s22], [sflag:$0x2], $0x200, $0x38;
	[tilespmem:$0x6BB0] =	vst v63  }
0xd7: {  	_ =	swait.ge [sflag:s10], $0x200  }
0xd8: {  	[sflag:s10] =	ssyncset.done $0x0  }
0xd9: {  	[sflag:s10] =	ssyncadd.s32 $0xFFFFFE00  }
0xda: {  	s23 =	sadd.s32 $0x1, s23  }
0xdb: {  	p0 =	sne.s32 s23, s9  }
.Ltmp2:
0xdc: {  	_ = 	snop;
	(pc) =	sbr.rel @p0 .LBB2_1-.Ltmp2, $1  }
0xdd: {  	_ =	sdelay $0x3  }
0xde: {  	_ =	sfence.sel $0x180000  }
0xdf: {  	[bflag:$0x0] =	sbarrier.arrive $0xFFFF  }
0xe0: {  	p0 =	sne.s32 s2, $0x0;
	_ =	strace $0x90000047  }
0xe1: {  	s0 =	sadd.s32 @!p0 $0x100000, s0;
	[bflag:$0x2] =	sbarrier.arrive $0xFFFF  }
0xe2: {  	[sflag:s0] =	ssyncadd.tile.s32 @!p0 $0x1;
	_ =	shalt  }
.Lfunc_end2:
_tile_overlayer_lowered:
.L_overlay_start_2:
0xe3: {  	(tag) =	ssettag $0x2  }
0xe4: {  	s0 =	rddreg [dreg:$0x0];
	s2 =	stileid.u32  }
0xe5: {  	s1 =	rddreg [dreg:$0x1];
	p0 =	sne.s32 s2, $0x0  }
0xe6: {  	s3 =	rddreg [dreg:$0x2];
	[bflag:$0x3] =	sbarrier.arrive $0xFFFF;
	s2 =	simm.s32 @!p0 $0x1C02  }
0xe7: {  	[timem:s3], [sflag:s2] =	dma.local @!p0 [hbm:s0], s1  }
0xe8: {  	s0 =	simm.s32 @!p0 $0x2  }
0xe9: {  	_ =	swait.ge @!p0 [sflag:s0], s1  }
0xea: {  	s1 =	ssub.s32 @!p0 $0x0, s1;
	[sflag:s0] =	ssyncset.done @!p0 $0x0  }
0xeb: {  	[sflag:s0] =	ssyncadd.s32 @!p0 s1  }
0xec: {  	[bflag:$0x3] =	sbarrier.arrive $0xFFFF  }
0xed: {  	_ =	shalt  }

</sc_bundles>
